<compile_context>
chip_gen: v7x
topology: tpu7x:2x2x1
jax: 0.10.2.dev20260603
libtpu: 0.0.44.dev20260713+nightly
codegen_flags: <defaults>
</compile_context>

<pallas_src>
import functools

import jax
import jax.numpy as jnp
from jax import lax
from jax.experimental import pallas as pl
from jax.experimental.pallas import tpu as pltpu
from jax.experimental.pallas import tpu_sc as plsc

SEQ = 2048
DIM = 2048
HID = 5632
T = 256
TE = 256
CAP = SEQ + T
NT = CAP // T
NTB = CAP // TE
H = 512
NH = HID // H
DIMW = DIM // 2
NC, NS, L = 2, 16, 16
NW = NC * NS
RPW = CAP // NW
CH = 24
NCH = RPW // CH
PAD_DST = SEQ

_mesh = plsc.VectorSubcoreMesh(
    core_axis_name="c", subcore_axis_name="s", num_cores=NC, num_subcores=NS)


@functools.partial(
    pl.kernel,
    out_type=(jax.ShapeDtypeStruct((CAP,), jnp.int32),
              jax.ShapeDtypeStruct((CAP,), jnp.int32),
              jax.ShapeDtypeStruct((16,), jnp.int32)),
    mesh=_mesh,
    scratch_types=[pltpu.VMEM((SEQ,), jnp.int32),
                   pltpu.VMEM((CAP,), jnp.int32),
                   pltpu.VMEM((CAP,), jnp.int32),
                   pltpu.VMEM((16,), jnp.int32)],
    compiler_params=pltpu.CompilerParams(needs_layout_passes=False),
)
def _route(mask_hbm, gidx_hbm, sidx_hbm, texp_hbm, mask_v, gidx_v, sidx_v,
           texp_v):
    wid = lax.axis_index("s") * NC + lax.axis_index("c")

    @pl.when(wid == 0)
    def _():
        pltpu.sync_copy(mask_hbm, mask_v)
        iota = lax.iota(jnp.int32, L)

        def count_body(i, n0):
            return n0 + jnp.sum(mask_v[pl.ds(i * L, L)])

        n0 = lax.fori_loop(0, SEQ // L, count_body, jnp.int32(0))
        r0 = ((n0 + T - 1) // T) * T

        def init_body(i, carry):
            gidx_v[pl.ds(i * L, L)] = jnp.zeros((L,), jnp.int32)
            sidx_v[pl.ds(i * L, L)] = PAD_DST + (iota & 7)
            return carry

        lax.fori_loop(0, CAP // L, init_body, 0)

        def scat_body(i, carry):
            c0, c1 = carry
            m = mask_v[pl.ds(i * L, L)]
            inc0 = plsc.cumsum(m)
            inc1 = plsc.cumsum(1 - m)
            dst = jnp.where(m == 1, c0 + inc0 - 1, r0 + c1 + inc1 - 1)
            tok = iota + i * L
            plsc.store_scatter(gidx_v, [dst], tok)
            plsc.store_scatter(sidx_v, [dst], tok)
            return (c0 + jnp.sum(m), c1 + jnp.sum(1 - m))

        lax.fori_loop(0, SEQ // L, scat_body,
                      (jnp.int32(0), jnp.int32(0)))

        texp_v[...] = jnp.where(iota * TE >= r0, 1, 0).astype(jnp.int32)
        pltpu.sync_copy(gidx_v, gidx_hbm)
        pltpu.sync_copy(sidx_v, sidx_hbm)
        pltpu.sync_copy(texp_v, texp_hbm)


@functools.partial(
    pl.kernel,
    out_type=jax.ShapeDtypeStruct((CAP, DIM), jnp.float32),
    mesh=_mesh,
    scratch_types=[pltpu.VMEM((RPW,), jnp.int32),
                   pltpu.VMEM((2, CH, DIM), jnp.float32),
                   pltpu.SemaphoreType.DMA,
                   pltpu.SemaphoreType.DMA],
)
def _gather(x_hbm, gidx_hbm, xs_hbm, idx_v, rows_v, sem0, sem1):
    wid = lax.axis_index("s") * NC + lax.axis_index("c")
    base = wid * RPW
    pltpu.sync_copy(gidx_hbm.at[pl.ds(base, RPW)], idx_v)
    sems = [sem0, sem1]
    hs = [None] * NCH
    hs[0] = pltpu.async_copy(x_hbm.at[idx_v.at[pl.ds(0, CH)]],
                             rows_v.at[0], sems[0])
    hs[1] = pltpu.async_copy(x_hbm.at[idx_v.at[pl.ds(CH, CH)]],
                             rows_v.at[1], sems[1])
    for c in range(NCH):
        hs[c].wait()
        pltpu.sync_copy(rows_v.at[c % 2], xs_hbm.at[pl.ds(base + c * CH, CH)])
        if c + 2 < NCH:
            hs[c + 2] = pltpu.async_copy(
                x_hbm.at[idx_v.at[pl.ds((c + 2) * CH, CH)]],
                rows_v.at[c % 2], sems[c % 2])


@functools.partial(
    pl.kernel,
    out_type=jax.ShapeDtypeStruct((SEQ + 8, DIM), jnp.float32),
    mesh=_mesh,
    scratch_types=[pltpu.VMEM((NCH, CH), jnp.int32),
                   pltpu.VMEM((2, CH, DIM), jnp.float32),
                   pltpu.SemaphoreType.DMA,
                   pltpu.SemaphoreType.DMA],
)
def _scatter(ys_hbm, sidx_hbm, out_hbm, idx_v, rows_v, sem0, sem1):
    wid = lax.axis_index("s") * NC + lax.axis_index("c")
    base = wid * RPW
    pltpu.sync_copy(sidx_hbm.at[wid], idx_v)
    sems = [sem0, sem1]
    prev = None
    for c in range(NCH):
        pltpu.sync_copy(ys_hbm.at[pl.ds(base + c * CH, CH)],
                        rows_v.at[c % 2])
        if prev is not None:
            prev.wait()
        prev = pltpu.async_copy(rows_v.at[c % 2], out_hbm.at[idx_v.at[c]],
                                sems[c % 2])
    prev.wait()


def _hold1(h, e_t):
    return jnp.maximum(h - 1 + e_t, 0)


def _ffn_a_body(e_ref, x_ref, w10, w30, w11, w31, hh_ref):
    t = pl.program_id(1)
    et = e_ref[t * (T // TE)]
    sl = pl.ds(t * T, T)
    dn = (((1,), (1,)), ((), ()))

    def compute(w1r, w3r):
        x = x_ref[sl, :]
        a = lax.dot_general(x, w1r[...], dn,
                            preferred_element_type=jnp.float32)
        b = lax.dot_general(x, w3r[...], dn,
                            preferred_element_type=jnp.float32)
        hh_ref[...] = (a * lax.logistic(a) * b).astype(jnp.bfloat16)

    @pl.when(et == 0)
    def _():
        compute(w10, w30)

    @pl.when(et != 0)
    def _():
        compute(w11, w31)


_ffn_a = pl.pallas_call(
    _ffn_a_body,
    grid_spec=pltpu.PrefetchScalarGridSpec(
        num_scalar_prefetch=1,
        grid=(NH, NT),
        in_specs=[
            pl.BlockSpec((CAP, DIM), lambda h, t, e: (0, 0)),
            pl.BlockSpec((H, DIM), lambda h, t, e: (h, 0)),
            pl.BlockSpec((H, DIM), lambda h, t, e: (h, 0)),
            pl.BlockSpec((H, DIM), lambda h, t, e: (_hold1(h, e[t * (T // TE)]), 0)),
            pl.BlockSpec((H, DIM), lambda h, t, e: (_hold1(h, e[t * (T // TE)]), 0)),
        ],
        out_specs=pl.BlockSpec((T, H), lambda h, t, e: (t, h)),
    ),
    out_shape=jax.ShapeDtypeStruct((CAP, HID), jnp.bfloat16),
    compiler_params=pltpu.CompilerParams(
        dimension_semantics=("arbitrary", "arbitrary"),
        vmem_limit_bytes=60 * 1024 * 1024,
    ),
)


def _ffn_b_body(e_ref, hh_ref, w20, w21, out_ref):
    t = pl.program_id(0)
    et = e_ref[t]
    dn = (((1,), (1,)), ((), ()))

    def compute(w2r):
        out_ref[...] = lax.dot_general(hh_ref[...], w2r[...], dn,
                                       preferred_element_type=jnp.float32)

    @pl.when(et == 0)
    def _():
        compute(w20)

    @pl.when(et != 0)
    def _():
        compute(w21)


_ffn_b = pl.pallas_call(
    _ffn_b_body,
    grid_spec=pltpu.PrefetchScalarGridSpec(
        num_scalar_prefetch=1,
        grid=(NTB,),
        in_specs=[
            pl.BlockSpec((TE, HID), lambda t, e: (t, 0)),
            pl.BlockSpec((DIM, HID), lambda t, e: (0, 0)),
            pl.BlockSpec((DIM, HID), lambda t, e: (0, 0)),
        ],
        out_specs=pl.BlockSpec((TE, DIM), lambda t, e: (t, 0)),
    ),
    out_shape=jax.ShapeDtypeStruct((CAP, DIM), jnp.float32),
    compiler_params=pltpu.CompilerParams(
        dimension_semantics=("arbitrary",),
        vmem_limit_bytes=60 * 1024 * 1024,
    ),
)


def kernel(x, modality_masks, w1_0, w2_0, w3_0, w1_1, w2_1, w3_1):
    x2d = x.reshape(SEQ, DIM)
    mask0 = modality_masks[0].reshape(SEQ).astype(jnp.int32)
    gidx, sidx, texp = _route(mask0)
    xs = _gather(x2d, gidx)
    hh = _ffn_a(texp, xs, w1_0, w3_0, w1_1, w3_1)
    ys = _ffn_b(texp, hh, w2_0.astype(jnp.bfloat16),
                w2_1.astype(jnp.bfloat16))
    merged_pad = _scatter(ys, sidx.reshape(NW, NCH, CH))
    return merged_pad[:SEQ].reshape(1, SEQ, DIM)

# --- scband reference (transcript-rebuilt; emitter-appended) ---
"""Pipeline reference for scband-mo-tfeed-forward-58394375356837 (READ-ONLY COPY).

The authoritative reference and input builder live on the scoring server;
editing this copy changes nothing except your own understanding.
"""

import jax, jax.numpy as jnp
import numpy as np

DIM = 2048
HID = 5632  # int(2*8192/3)=5461 -> round up to multiple_of=256 -> 5632
BS = 1
SEQ = 2048


def setup_inputs(seed: int = 0) -> dict:
    key = jax.random.key(seed)
    ks = jax.random.split(key, 9)
    x = jax.random.normal(ks[0], (BS, SEQ, DIM), dtype=jnp.float32)
    m0 = jax.random.bernoulli(ks[1], 0.5, (BS, SEQ))
    modality_masks = jnp.stack([m0, jnp.logical_not(m0)], axis=0)
    s = 0.02
    w1_0 = jax.random.normal(ks[2], (HID, DIM), dtype=jnp.float32) * s
    w2_0 = jax.random.normal(ks[3], (DIM, HID), dtype=jnp.float32) * s
    w3_0 = jax.random.normal(ks[4], (HID, DIM), dtype=jnp.float32) * s
    w1_1 = jax.random.normal(ks[5], (HID, DIM), dtype=jnp.float32) * s
    w2_1 = jax.random.normal(ks[6], (DIM, HID), dtype=jnp.float32) * s
    w3_1 = jax.random.normal(ks[7], (HID, DIM), dtype=jnp.float32) * s
    return {"x": x, "modality_masks": modality_masks,
            "w1_0": w1_0, "w2_0": w2_0, "w3_0": w3_0,
            "w1_1": w1_1, "w2_1": w2_1, "w3_1": w3_1}


def _expert_ffn(inp, w1, w2, w3):
    # SwiGLU FeedForward: w2(silu(w1(x)) * w3(x)), linears without bias
    return (jax.nn.silu(inp @ w1.T) * (inp @ w3.T)) @ w2.T


def reference(x, modality_masks, w1_0, w2_0, w3_0, w1_1, w2_1, w3_1):
    weights = [(w1_0, w2_0, w3_0), (w1_1, w2_1, w3_1)]
    n_modalities = 2
    outs = []
    for i in range(n_modalities):
        outs.append(_expert_ffn(x, *weights[i]))
    # merge_modalities: scatter-overwrite from last modality to first
    merged = jnp.zeros((x.shape[0], x.shape[1], DIM), dtype=x.dtype)
    for i in range(n_modalities - 1, -1, -1):
        merged = jnp.where(modality_masks[i][..., None], outs[i], merged)
    return merged

if __name__ == "__main__":
    import jax
    _d = setup_inputs()
    print(jax.jit(kernel)(*tuple(_d.values())))

</pallas_src>

<mosaic_0001>
#map = affine_map<(d0, d1) -> (0)>
module attributes {stable_mosaic.version = 14 : i64} {
  func.func @_route(%arg0: i32, %arg1: i32, %arg2: memref<2048xi32, #tpu.memory_space<hbm>>, %arg3: memref<2304xi32, #tpu.memory_space<hbm>>, %arg4: memref<2304xi32, #tpu.memory_space<hbm>>, %arg5: memref<16xi32, #tpu.memory_space<hbm>>, %arg6: memref<2048xi32, #tpu.memory_space<vmem>>, %arg7: memref<2304xi32, #tpu.memory_space<vmem>>, %arg8: memref<2304xi32, #tpu.memory_space<vmem>>, %arg9: memref<16xi32, #tpu.memory_space<vmem>>) attributes {dimension_semantics = [#tpu.dimension_semantics<core_parallel>, #tpu.dimension_semantics<subcore_parallel>], iteration_bounds = array<i64: 2, 16>, scalar_prefetch = 0 : i64, scratch_operands = 4 : i64, tpu.core_type = #tpu.core_type<sc_vector_subcore>, window_params = [{transform_indices = #map}, {transform_indices = #map}, {transform_indices = #map}, {transform_indices = #map}]} {
    %mul3A = arith.constant 2 : i32
    %mul3A_0 = arith.muli %arg1, %mul3A : i32
    %add3A = arith.addi %mul3A_0, %arg0 : i32
    %eq3A = arith.constant 0 : i32
    %eq3A_1 = arith.cmpi eq, %add3A, %eq3A : i32
    %convert_element_type3A = arith.extui %eq3A_1 : i1 to i32
    %cond3A = arith.constant 0 : i32
    %cond3A_2 = arith.cmpi ne, %convert_element_type3A, %cond3A : i32
    scf.if %cond3A_2 {
      "tpu.region"() ({
        %run_scoped3A = tpu.sem_alloc : memref<!tpu.dma_semaphore, #tpu.memory_space<semaphore_mem>>
        tpu.enqueue_dma source(%arg2 : memref<2048xi32, #tpu.memory_space<hbm>>) target(%arg6 : memref<2048xi32, #tpu.memory_space<vmem>>) target_semaphore(%run_scoped3A : memref<!tpu.dma_semaphore, #tpu.memory_space<semaphore_mem>>)
        tpu.wait_dma2 semaphore(%run_scoped3A : memref<!tpu.dma_semaphore, #tpu.memory_space<semaphore_mem>>) src(%arg2 : memref<2048xi32, #tpu.memory_space<hbm>>) dst(%arg6 : memref<2048xi32, #tpu.memory_space<vmem>>)
        tpu.yield
      }) : () -> ()
      %iota3A = tpu.iota {dimensions = array<i32: 0>} : vector<16xi32>
      %scan3A = arith.constant 0 : i32
      %scan3A_3 = arith.constant 0 : i32
      %scan3A_4 = arith.constant 128 : i32
      %scan3A_5 = arith.addi %scan3A_3, %scan3A_4 : i32
      %scan3A_6 = arith.constant 1 : i32
      %scan3A_7 = scf.for %scan3A_54 = %scan3A_3 to %scan3A_5 step %scan3A_6 iter_args(%scan3A_55 = %scan3A) -> (i32)  : i32 {
        %mul3A_56 = arith.constant 16 : i32
        %mul3A_57 = arith.muli %scan3A_54, %mul3A_56 : i32
        %get3A = arith.index_cast %mul3A_57 : i32 to index
        %get3A_58 = tpu.vector_load %arg6[%get3A] {strides = array<i32>} : memref<2048xi32, #tpu.memory_space<vmem>>, vector<16xi32>,
        %reduce_sum3A = arith.constant true
        %reduce_sum3A_59 = vector.broadcast %reduce_sum3A : i1 to vector<16xi1>
        %reduce_sum3A_60 = tpu.scan <sum>, %get3A_58 masked %reduce_sum3A_59 : vector<16xi32>, vector<16xi1> -> vector<16xi32>
        %reduce_sum3A_61 = vector.extract %reduce_sum3A_60[15] : i32 from vector<16xi32>
        %add3A_62 = arith.addi %scan3A_55, %reduce_sum3A_61 : i32
        scf.yield %add3A_62 : i32
      }
      %scan3A_8 = arith.constant 128 : i32
      %add3A_9 = arith.constant 256 : i32
      %add3A_10 = arith.addi %scan3A_7, %add3A_9 : i32
      %sub3A = arith.constant 1 : i32
      %sub3A_11 = arith.subi %add3A_10, %sub3A : i32
      %jit3A = arith.constant 256 : i32
      %div3A = arith.divsi %sub3A_11, %jit3A : i32
      %sign3A = arith.constant 0 : i32
      %sign3A_12 = arith.cmpi sgt, %sub3A_11, %sign3A : i32
      %sign3A_13 = arith.extui %sign3A_12 : i1 to i32
      %sign3A_14 = arith.constant 0 : i32
      %sign3A_15 = arith.cmpi slt, %sub3A_11, %sign3A_14 : i32
      %sign3A_16 = arith.extui %sign3A_15 : i1 to i32
      %sign3A_17 = arith.subi %sign3A_13, %sign3A_16 : i32
      %sign3A_18 = arith.constant 0 : i32
      %sign3A_19 = arith.cmpi sgt, %jit3A, %sign3A_18 : i32
      %sign3A_20 = arith.extui %sign3A_19 : i1 to i32
      %sign3A_21 = arith.constant 0 : i32
      %sign3A_22 = arith.cmpi slt, %jit3A, %sign3A_21 : i32
      %sign3A_23 = arith.extui %sign3A_22 : i1 to i32
      %sign3A_24 = arith.subi %sign3A_20, %sign3A_23 : i32
      %ne3A = arith.cmpi ne, %sign3A_17, %sign3A_24 : i32
      %rem3A = arith.remsi %sub3A_11, %jit3A : i32
      %ne3A_25 = arith.constant 0 : i32
      %ne3A_26 = arith.cmpi ne, %rem3A, %ne3A_25 : i32
      %and3A = arith.andi %ne3A, %ne3A_26 : i1
      %sub3A_27 = arith.constant 1 : i32
      %sub3A_28 = arith.subi %div3A, %sub3A_27 : i32
      %select_n3A = arith.select %and3A, %sub3A_28, %div3A : i32
      %mul3A_29 = arith.constant 256 : i32
      %mul3A_30 = arith.muli %select_n3A, %mul3A_29 : i32
      %scan3A_31 = arith.constant 0 : i32
      %scan3A_32 = arith.constant 0 : i32
      %scan3A_33 = arith.constant 144 : i32
      %scan3A_34 = arith.addi %scan3A_32, %scan3A_33 : i32
      %scan3A_35 = arith.constant 1 : i32
      scf.for %scan3A_54 = %scan3A_32 to %scan3A_34 step %scan3A_35  : i32 {
        %broadcast_in_dim3A_55 = arith.constant 0 : i32
        %broadcast_in_dim3A_56 = vector.broadcast %broadcast_in_dim3A_55 : i32 to vector<16xi32>
        %mul3A_57 = arith.constant 16 : i32
        %mul3A_58 = arith.muli %scan3A_54, %mul3A_57 : i32
        %swap3A_59 = arith.index_cast %mul3A_58 : i32 to index
        %swap3A_60 = tpu.vector_load %arg7[%swap3A_59] {strides = array<i32>} : memref<2304xi32, #tpu.memory_space<vmem>>, vector<16xi32>,
        tpu.vector_store %arg7[%swap3A_59], %broadcast_in_dim3A_56 {strides = array<i32>} : memref<2304xi32, #tpu.memory_space<vmem>>, vector<16xi32>,
        %and3A_61 = arith.constant 7 : i32
        %and3A_62 = vector.broadcast %and3A_61 : i32 to vector<16xi32>
        %and3A_63 = arith.andi %iota3A, %and3A_62 : vector<16xi32>
        %add3A_64 = arith.constant 2048 : i32
        %add3A_65 = vector.broadcast %add3A_64 : i32 to vector<16xi32>
        %add3A_66 = arith.addi %add3A_65, %and3A_63 : vector<16xi32>
        %mul3A_67 = arith.constant 16 : i32
        %mul3A_68 = arith.muli %scan3A_54, %mul3A_67 : i32
        %swap3A_69 = arith.index_cast %mul3A_68 : i32 to index
        %swap3A_70 = tpu.vector_load %arg8[%swap3A_69] {strides = array<i32>} : memref<2304xi32, #tpu.memory_space<vmem>>, vector<16xi32>,
        tpu.vector_store %arg8[%swap3A_69], %add3A_66 {strides = array<i32>} : memref<2304xi32, #tpu.memory_space<vmem>>, vector<16xi32>,
      }
      %scan3A_36 = arith.constant 144 : i32
      %scan3A_37 = arith.constant 0 : i32
      %scan3A_38 = arith.constant 0 : i32
      %scan3A_39 = arith.constant 0 : i32
      %scan3A_40 = arith.constant 128 : i32
      %scan3A_41 = arith.addi %scan3A_39, %scan3A_40 : i32
      %scan3A_42 = arith.constant 1 : i32
      %scan3A_43:2 = scf.for %scan3A_54 = %scan3A_39 to %scan3A_41 step %scan3A_42 iter_args(%scan3A_55 = %scan3A_37, %scan3A_56 = %scan3A_38) -> (i32, i32)  : i32 {
        %mul3A_57 = arith.constant 16 : i32
        %mul3A_58 = arith.muli %scan3A_54, %mul3A_57 : i32
        %get3A = arith.index_cast %mul3A_58 : i32 to index
        %get3A_59 = tpu.vector_load %arg6[%get3A] {strides = array<i32>} : memref<2048xi32, #tpu.memory_space<vmem>>, vector<16xi32>,
        %broadcast_in_dim3A_60 = arith.constant true
        %broadcast_in_dim3A_61 = vector.broadcast %broadcast_in_dim3A_60 : i1 to vector<16xi1>
        %masked_cumsum3A = tpu.scan <sum>, %get3A_59 masked %broadcast_in_dim3A_61 : vector<16xi32>, vector<16xi1> -> vector<16xi32>
        %sub3A_62 = arith.constant 1 : i32
        %sub3A_63 = vector.broadcast %sub3A_62 : i32 to vector<16xi32>
        %sub3A_64 = arith.subi %sub3A_63, %get3A_59 : vector<16xi32>
        %broadcast_in_dim3A_65 = arith.constant true
        %broadcast_in_dim3A_66 = vector.broadcast %broadcast_in_dim3A_65 : i1 to vector<16xi1>
        %masked_cumsum3A_67 = tpu.scan <sum>, %sub3A_64 masked %broadcast_in_dim3A_66 : vector<16xi32>, vector<16xi1> -> vector<16xi32>
        %eq3A_68 = arith.constant 1 : i32
        %eq3A_69 = vector.broadcast %eq3A_68 : i32 to vector<16xi32>
        %eq3A_70 = arith.cmpi eq, %get3A_59, %eq3A_69 : vector<16xi32>
        %add3A_71 = vector.broadcast %scan3A_55 : i32 to vector<16xi32>
        %add3A_72 = arith.addi %add3A_71, %masked_cumsum3A : vector<16xi32>
        %sub3A_73 = arith.constant 1 : i32
        %sub3A_74 = vector.broadcast %sub3A_73 : i32 to vector<16xi32>
        %sub3A_75 = arith.subi %add3A_72, %sub3A_74 : vector<16xi32>
        %add3A_76 = arith.addi %mul3A_30, %scan3A_56 : i32
        %add3A_77 = vector.broadcast %add3A_76 : i32 to vector<16xi32>
        %add3A_78 = arith.addi %add3A_77, %masked_cumsum3A_67 : vector<16xi32>
        %sub3A_79 = arith.constant 1 : i32
        %sub3A_80 = vector.broadcast %sub3A_79 : i32 to vector<16xi32>
        %sub3A_81 = arith.subi %add3A_78, %sub3A_80 : vector<16xi32>
        %select_n3A_82 = arith.select %eq3A_70, %sub3A_75, %sub3A_81 : vector<16xi1>, vector<16xi32>
        %mul3A_83 = arith.constant 16 : i32
        %mul3A_84 = arith.muli %scan3A_54, %mul3A_83 : i32
        %add3A_85 = vector.broadcast %mul3A_84 : i32 to vector<16xi32>
        %add3A_86 = arith.addi %iota3A, %add3A_85 : vector<16xi32>
        tpu.vector_store_idx %arg7[%select_n3A_82], %add3A_86 : memref<2304xi32, #tpu.memory_space<vmem>>[vector<16xi32>], vector<16xi32>,
        tpu.vector_store_idx %arg8[%select_n3A_82], %add3A_86 : memref<2304xi32, #tpu.memory_space<vmem>>[vector<16xi32>], vector<16xi32>,
        %reduce_sum3A = arith.constant true
        %reduce_sum3A_87 = vector.broadcast %reduce_sum3A : i1 to vector<16xi1>
        %reduce_sum3A_88 = tpu.scan <sum>, %get3A_59 masked %reduce_sum3A_87 : vector<16xi32>, vector<16xi1> -> vector<16xi32>
        %reduce_sum3A_89 = vector.extract %reduce_sum3A_88[15] : i32 from vector<16xi32>
        %add3A_90 = arith.addi %scan3A_55, %reduce_sum3A_89 : i32
        %sub3A_91 = arith.constant 1 : i32
        %sub3A_92 = vector.broadcast %sub3A_91 : i32 to vector<16xi32>
        %sub3A_93 = arith.subi %sub3A_92, %get3A_59 : vector<16xi32>
        %reduce_sum3A_94 = arith.constant true
        %reduce_sum3A_95 = vector.broadcast %reduce_sum3A_94 : i1 to vector<16xi1>
        %reduce_sum3A_96 = tpu.scan <sum>, %sub3A_93 masked %reduce_sum3A_95 : vector<16xi32>, vector<16xi1> -> vector<16xi32>
        %reduce_sum3A_97 = vector.extract %reduce_sum3A_96[15] : i32 from vector<16xi32>
        %add3A_98 = arith.addi %scan3A_56, %reduce_sum3A_97 : i32
        scf.yield %add3A_90, %add3A_98 : i32, i32
      }
      %scan3A_44 = arith.constant 128 : i32
      %mul3A_45 = arith.constant 256 : i32
      %mul3A_46 = vector.broadcast %mul3A_45 : i32 to vector<16xi32>
      %mul3A_47 = arith.muli %iota3A, %mul3A_46 : vector<16xi32>
      %ge3A = vector.broadcast %mul3A_30 : i32 to vector<16xi32>
      %ge3A_48 = arith.cmpi sge, %mul3A_47, %ge3A : vector<16xi32>
      %jit3A_49 = arith.constant 1 : i32
      %jit3A_50 = arith.constant 0 : i32
      %broadcast_in_dim3A = vector.broadcast %jit3A_49 : i32 to vector<16xi32>
      %broadcast_in_dim3A_51 = vector.broadcast %jit3A_50 : i32 to vector<16xi32>
      %select_n3A_52 = arith.select %ge3A_48, %broadcast_in_dim3A, %broadcast_in_dim3A_51 : vector<16xi1>, vector<16xi32>
      %swap3A = arith.constant 0 : index
      %swap3A_53 = tpu.vector_load %arg9[%swap3A] {strides = array<i32>} : memref<16xi32, #tpu.memory_space<vmem>>, vector<16xi32>,
      tpu.vector_store %arg9[%swap3A], %select_n3A_52 {strides = array<i32>} : memref<16xi32, #tpu.memory_space<vmem>>, vector<16xi32>,
      "tpu.region"() ({
        %run_scoped3A = tpu.sem_alloc : memref<!tpu.dma_semaphore, #tpu.memory_space<semaphore_mem>>
        tpu.enqueue_dma source(%arg7 : memref<2304xi32, #tpu.memory_space<vmem>>) target(%arg3 : memref<2304xi32, #tpu.memory_space<hbm>>) target_semaphore(%run_scoped3A : memref<!tpu.dma_semaphore, #tpu.memory_space<semaphore_mem>>)
        tpu.wait_dma2 semaphore(%run_scoped3A : memref<!tpu.dma_semaphore, #tpu.memory_space<semaphore_mem>>) src(%arg7 : memref<2304xi32, #tpu.memory_space<vmem>>) dst(%arg3 : memref<2304xi32, #tpu.memory_space<hbm>>)
        tpu.yield
      }) : () -> ()
      "tpu.region"() ({
        %run_scoped3A = tpu.sem_alloc : memref<!tpu.dma_semaphore, #tpu.memory_space<semaphore_mem>>
        tpu.enqueue_dma source(%arg8 : memref<2304xi32, #tpu.memory_space<vmem>>) target(%arg4 : memref<2304xi32, #tpu.memory_space<hbm>>) target_semaphore(%run_scoped3A : memref<!tpu.dma_semaphore, #tpu.memory_space<semaphore_mem>>)
        tpu.wait_dma2 semaphore(%run_scoped3A : memref<!tpu.dma_semaphore, #tpu.memory_space<semaphore_mem>>) src(%arg8 : memref<2304xi32, #tpu.memory_space<vmem>>) dst(%arg4 : memref<2304xi32, #tpu.memory_space<hbm>>)
        tpu.yield
      }) : () -> ()
      "tpu.region"() ({
        %run_scoped3A = tpu.sem_alloc : memref<!tpu.dma_semaphore, #tpu.memory_space<semaphore_mem>>
        tpu.enqueue_dma source(%arg9 : memref<16xi32, #tpu.memory_space<vmem>>) target(%arg5 : memref<16xi32, #tpu.memory_space<hbm>>) target_semaphore(%run_scoped3A : memref<!tpu.dma_semaphore, #tpu.memory_space<semaphore_mem>>)
        tpu.wait_dma2 semaphore(%run_scoped3A : memref<!tpu.dma_semaphore, #tpu.memory_space<semaphore_mem>>) src(%arg9 : memref<16xi32, #tpu.memory_space<vmem>>) dst(%arg5 : memref<16xi32, #tpu.memory_space<hbm>>)
        tpu.yield
      }) : () -> ()
    } else {
    }
    return
  }
}

#map = affine_map<(d0, d1) -> (0, 0)>
#map1 = affine_map<(d0, d1) -> (0, 0, 0)>
module attributes {stable_mosaic.version = 14 : i64} {
  func.func @_scatter(%arg0: i32, %arg1: i32, %arg2: memref<2304x2048xf32, #tpu.memory_space<hbm>>, %arg3: memref<32x3x24xi32, #tpu.memory_space<hbm>>, %arg4: memref<2056x2048xf32, #tpu.memory_space<hbm>>, %arg5: memref<3x24xi32, #tpu.memory_space<vmem>>, %arg6: memref<2x24x2048xf32, #tpu.memory_space<vmem>>, %arg7: memref<!tpu.dma_semaphore, #tpu.memory_space<semaphore_mem>>, %arg8: memref<!tpu.dma_semaphore, #tpu.memory_space<semaphore_mem>>) attributes {dimension_semantics = [#tpu.dimension_semantics<core_parallel>, #tpu.dimension_semantics<subcore_parallel>], iteration_bounds = array<i64: 2, 16>, scalar_prefetch = 0 : i64, scratch_operands = 4 : i64, tpu.core_type = #tpu.core_type<sc_vector_subcore>, window_params = [{transform_indices = #map}, {transform_indices = #map1}, {transform_indices = #map}]} {
    %mul3A = arith.constant 2 : i32
    %mul3A_0 = arith.muli %arg1, %mul3A : i32
    %add3A = arith.addi %mul3A_0, %arg0 : i32
    %mul3A_1 = arith.constant 72 : i32
    %mul3A_2 = arith.muli %add3A, %mul3A_1 : i32
    "tpu.region"() ({
      %run_scoped3A_81 = tpu.sem_alloc : memref<!tpu.dma_semaphore, #tpu.memory_space<semaphore_mem>>
      %dma_start3A_82 = arith.constant 0 : i32
      %dma_start3A_83 = arith.constant 0 : i32
      %dma_start3A_84 = tpu.memref_slice %arg3[%add3A, %dma_start3A_82, %dma_start3A_83] : memref<32x3x24xi32, #tpu.memory_space<hbm>> -> memref<1x3x24xi32, #tpu.memory_space<hbm>>
      %dma_start3A_85 = tpu.memref_squeeze %dma_start3A_84 : memref<1x3x24xi32, #tpu.memory_space<hbm>> -> memref<3x24xi32, #tpu.memory_space<hbm>>
      %dma_start3A_86 = arith.constant 0 : i32
      %dma_start3A_87 = arith.constant 0 : i32
      %dma_start3A_88 = tpu.memref_slice %arg3[%add3A, %dma_start3A_86, %dma_start3A_87] : memref<32x3x24xi32, #tpu.memory_space<hbm>> -> memref<1x3x24xi32, #tpu.memory_space<hbm>>
      %dma_start3A_89 = tpu.memref_squeeze %dma_start3A_88 : memref<1x3x24xi32, #tpu.memory_space<hbm>> -> memref<3x24xi32, #tpu.memory_space<hbm>>
      tpu.enqueue_dma source(%dma_start3A_89 : memref<3x24xi32, #tpu.memory_space<hbm>>) target(%arg5 : memref<3x24xi32, #tpu.memory_space<vmem>>) target_semaphore(%run_scoped3A_81 : memref<!tpu.dma_semaphore, #tpu.memory_space<semaphore_mem>>)
      %dma_wait3A_90 = arith.constant 0 : i32
      %dma_wait3A_91 = arith.constant 0 : i32
      %dma_wait3A_92 = tpu.memref_slice %arg3[%add3A, %dma_wait3A_90, %dma_wait3A_91] : memref<32x3x24xi32, #tpu.memory_space<hbm>> -> memref<1x3x24xi32, #tpu.memory_space<hbm>>
      %dma_wait3A_93 = tpu.memref_squeeze %dma_wait3A_92 : memref<1x3x24xi32, #tpu.memory_space<hbm>> -> memref<3x24xi32, #tpu.memory_space<hbm>>
      %dma_wait3A_94 = arith.constant 0 : i32
      %dma_wait3A_95 = arith.constant 0 : i32
      %dma_wait3A_96 = tpu.memref_slice %arg3[%add3A, %dma_wait3A_94, %dma_wait3A_95] : memref<32x3x24xi32, #tpu.memory_space<hbm>> -> memref<1x3x24xi32, #tpu.memory_space<hbm>>
      %dma_wait3A_97 = tpu.memref_squeeze %dma_wait3A_96 : memref<1x3x24xi32, #tpu.memory_space<hbm>> -> memref<3x24xi32, #tpu.memory_space<hbm>>
      tpu.wait_dma2 semaphore(%run_scoped3A_81 : memref<!tpu.dma_semaphore, #tpu.memory_space<semaphore_mem>>) src(%dma_wait3A_97 : memref<3x24xi32, #tpu.memory_space<hbm>>) dst(%arg5 : memref<3x24xi32, #tpu.memory_space<vmem>>)
      tpu.yield
    }) : () -> ()
    %add3A_3 = arith.constant 0 : i32
    %add3A_4 = arith.addi %mul3A_2, %add3A_3 : i32
    %run_scoped3A = arith.constant 0 : i32
    "tpu.region"() ({
      %run_scoped3A_81 = tpu.sem_alloc : memref<!tpu.dma_semaphore, #tpu.memory_space<semaphore_mem>>
      %dma_start3A_82 = arith.constant 0 : i32
      %dma_start3A_83 = arith.constant 0 : i32
      %dma_start3A_84 = tpu.memref_slice %arg6[%run_scoped3A, %dma_start3A_82, %dma_start3A_83] : memref<2x24x2048xf32, #tpu.memory_space<vmem>> -> memref<1x24x2048xf32, #tpu.memory_space<vmem>>
      %dma_start3A_85 = tpu.memref_squeeze %dma_start3A_84 : memref<1x24x2048xf32, #tpu.memory_space<vmem>> -> memref<24x2048xf32, #tpu.memory_space<vmem>>
      %dma_start3A_86 = arith.constant 0 : i32
      %dma_start3A_87 = tpu.memref_slice %arg2[%add3A_4, %dma_start3A_86] : memref<2304x2048xf32, #tpu.memory_space<hbm>> -> memref<24x2048xf32, #tpu.memory_space<hbm>>
      %dma_start3A_88 = arith.constant 0 : i32
      %dma_start3A_89 = arith.constant 0 : i32
      %dma_start3A_90 = tpu.memref_slice %arg6[%run_scoped3A, %dma_start3A_88, %dma_start3A_89] : memref<2x24x2048xf32, #tpu.memory_space<vmem>> -> memref<1x24x2048xf32, #tpu.memory_space<vmem>>
      %dma_start3A_91 = tpu.memref_squeeze %dma_start3A_90 : memref<1x24x2048xf32, #tpu.memory_space<vmem>> -> memref<24x2048xf32, #tpu.memory_space<vmem>>
      %dma_start3A_92 = arith.constant 0 : i32
      %dma_start3A_93 = tpu.memref_slice %arg2[%add3A_4, %dma_start3A_92] : memref<2304x2048xf32, #tpu.memory_space<hbm>> -> memref<24x2048xf32, #tpu.memory_space<hbm>>
      tpu.enqueue_dma source(%dma_start3A_93 : memref<24x2048xf32, #tpu.memory_space<hbm>>) target(%dma_start3A_91 : memref<24x2048xf32, #tpu.memory_space<vmem>>) target_semaphore(%run_scoped3A_81 : memref<!tpu.dma_semaphore, #tpu.memory_space<semaphore_mem>>)
      %dma_wait3A_94 = arith.constant 0 : i32
      %dma_wait3A_95 = arith.constant 0 : i32
      %dma_wait3A_96 = tpu.memref_slice %arg6[%run_scoped3A, %dma_wait3A_94, %dma_wait3A_95] : memref<2x24x2048xf32, #tpu.memory_space<vmem>> -> memref<1x24x2048xf32, #tpu.memory_space<vmem>>
      %dma_wait3A_97 = tpu.memref_squeeze %dma_wait3A_96 : memref<1x24x2048xf32, #tpu.memory_space<vmem>> -> memref<24x2048xf32, #tpu.memory_space<vmem>>
      %dma_wait3A_98 = arith.constant 0 : i32
      %dma_wait3A_99 = tpu.memref_slice %arg2[%add3A_4, %dma_wait3A_98] : memref<2304x2048xf32, #tpu.memory_space<hbm>> -> memref<24x2048xf32, #tpu.memory_space<hbm>>
      %dma_wait3A_100 = arith.constant 0 : i32
      %dma_wait3A_101 = arith.constant 0 : i32
      %dma_wait3A_102 = tpu.memref_slice %arg6[%run_scoped3A, %dma_wait3A_100, %dma_wait3A_101] : memref<2x24x2048xf32, #tpu.memory_space<vmem>> -> memref<1x24x2048xf32, #tpu.memory_space<vmem>>
      %dma_wait3A_103 = tpu.memref_squeeze %dma_wait3A_102 : memref<1x24x2048xf32, #tpu.memory_space<vmem>> -> memref<24x2048xf32, #tpu.memory_space<vmem>>
      %dma_wait3A_104 = arith.constant 0 : i32
      %dma_wait3A_105 = tpu.memref_slice %arg2[%add3A_4, %dma_wait3A_104] : memref<2304x2048xf32, #tpu.memory_space<hbm>> -> memref<24x2048xf32, #tpu.memory_space<hbm>>
      tpu.wait_dma2 semaphore(%run_scoped3A_81 : memref<!tpu.dma_semaphore, #tpu.memory_space<semaphore_mem>>) src(%dma_wait3A_105 : memref<24x2048xf32, #tpu.memory_space<hbm>>) dst(%dma_wait3A_103 : memref<24x2048xf32, #tpu.memory_space<vmem>>)
      tpu.yield
    }) : () -> ()
    %dma_start3A = arith.constant 0 : i32
    %dma_start3A_5 = arith.constant 0 : i32
    %dma_start3A_6 = arith.constant 0 : i32
    %dma_start3A_7 = arith.constant 0 : i32
    %dma_start3A_8 = tpu.memref_slice %arg6[%dma_start3A, %dma_start3A_6, %dma_start3A_7] : memref<2x24x2048xf32, #tpu.memory_space<vmem>> -> memref<1x24x2048xf32, #tpu.memory_space<vmem>>
    %dma_start3A_9 = tpu.memref_squeeze %dma_start3A_8 : memref<1x24x2048xf32, #tpu.memory_space<vmem>> -> memref<24x2048xf32, #tpu.memory_space<vmem>>
    %dma_start3A_10 = arith.constant 0 : i32
    %dma_start3A_11 = tpu.memref_slice %arg5[%dma_start3A_5, %dma_start3A_10] : memref<3x24xi32, #tpu.memory_space<vmem>> -> memref<1x24xi32, #tpu.memory_space<vmem>>
    %dma_start3A_12 = tpu.memref_squeeze %dma_start3A_11 : memref<1x24xi32, #tpu.memory_space<vmem>> -> memref<24xi32, #tpu.memory_space<vmem>>
    %dma_start3A_13 = arith.constant 0 : i32
    %dma_start3A_14 = arith.constant 0 : i32
    %dma_start3A_15 = tpu.memref_slice %arg4[%dma_start3A_13, %dma_start3A_14] : memref<2056x2048xf32, #tpu.memory_space<hbm>> -> memref<2056x2048xf32, #tpu.memory_space<hbm>>
    tpu.enqueue_indirect_dma source(%dma_start3A_9 : memref<24x2048xf32, #tpu.memory_space<vmem>>) target(%dma_start3A_15 : memref<2056x2048xf32, #tpu.memory_space<hbm>>) offsets(%dma_start3A_12 : memref<24xi32, #tpu.memory_space<vmem>>) semaphore(%arg7 : memref<!tpu.dma_semaphore, #tpu.memory_space<semaphore_mem>>)
    %add3A_16 = arith.constant 24 : i32
    %add3A_17 = arith.addi %mul3A_2, %add3A_16 : i32
    %run_scoped3A_18 = arith.constant 1 : i32
    "tpu.region"() ({
      %run_scoped3A_81 = tpu.sem_alloc : memref<!tpu.dma_semaphore, #tpu.memory_space<semaphore_mem>>
      %dma_start3A_82 = arith.constant 0 : i32
      %dma_start3A_83 = arith.constant 0 : i32
      %dma_start3A_84 = tpu.memref_slice %arg6[%run_scoped3A_18, %dma_start3A_82, %dma_start3A_83] : memref<2x24x2048xf32, #tpu.memory_space<vmem>> -> memref<1x24x2048xf32, #tpu.memory_space<vmem>>
      %dma_start3A_85 = tpu.memref_squeeze %dma_start3A_84 : memref<1x24x2048xf32, #tpu.memory_space<vmem>> -> memref<24x2048xf32, #tpu.memory_space<vmem>>
      %dma_start3A_86 = arith.constant 0 : i32
      %dma_start3A_87 = tpu.memref_slice %arg2[%add3A_17, %dma_start3A_86] : memref<2304x2048xf32, #tpu.memory_space<hbm>> -> memref<24x2048xf32, #tpu.memory_space<hbm>>
      %dma_start3A_88 = arith.constant 0 : i32
      %dma_start3A_89 = arith.constant 0 : i32
      %dma_start3A_90 = tpu.memref_slice %arg6[%run_scoped3A_18, %dma_start3A_88, %dma_start3A_89] : memref<2x24x2048xf32, #tpu.memory_space<vmem>> -> memref<1x24x2048xf32, #tpu.memory_space<vmem>>
      %dma_start3A_91 = tpu.memref_squeeze %dma_start3A_90 : memref<1x24x2048xf32, #tpu.memory_space<vmem>> -> memref<24x2048xf32, #tpu.memory_space<vmem>>
      %dma_start3A_92 = arith.constant 0 : i32
      %dma_start3A_93 = tpu.memref_slice %arg2[%add3A_17, %dma_start3A_92] : memref<2304x2048xf32, #tpu.memory_space<hbm>> -> memref<24x2048xf32, #tpu.memory_space<hbm>>
      tpu.enqueue_dma source(%dma_start3A_93 : memref<24x2048xf32, #tpu.memory_space<hbm>>) target(%dma_start3A_91 : memref<24x2048xf32, #tpu.memory_space<vmem>>) target_semaphore(%run_scoped3A_81 : memref<!tpu.dma_semaphore, #tpu.memory_space<semaphore_mem>>)
      %dma_wait3A_94 = arith.constant 0 : i32
      %dma_wait3A_95 = arith.constant 0 : i32
      %dma_wait3A_96 = tpu.memref_slice %arg6[%run_scoped3A_18, %dma_wait3A_94, %dma_wait3A_95] : memref<2x24x2048xf32, #tpu.memory_space<vmem>> -> memref<1x24x2048xf32, #tpu.memory_space<vmem>>
      %dma_wait3A_97 = tpu.memref_squeeze %dma_wait3A_96 : memref<1x24x2048xf32, #tpu.memory_space<vmem>> -> memref<24x2048xf32, #tpu.memory_space<vmem>>
      %dma_wait3A_98 = arith.constant 0 : i32
      %dma_wait3A_99 = tpu.memref_slice %arg2[%add3A_17, %dma_wait3A_98] : memref<2304x2048xf32, #tpu.memory_space<hbm>> -> memref<24x2048xf32, #tpu.memory_space<hbm>>
      %dma_wait3A_100 = arith.constant 0 : i32
      %dma_wait3A_101 = arith.constant 0 : i32
      %dma_wait3A_102 = tpu.memref_slice %arg6[%run_scoped3A_18, %dma_wait3A_100, %dma_wait3A_101] : memref<2x24x2048xf32, #tpu.memory_space<vmem>> -> memref<1x24x2048xf32, #tpu.memory_space<vmem>>
      %dma_wait3A_103 = tpu.memref_squeeze %dma_wait3A_102 : memref<1x24x2048xf32, #tpu.memory_space<vmem>> -> memref<24x2048xf32, #tpu.memory_space<vmem>>
      %dma_wait3A_104 = arith.constant 0 : i32
      %dma_wait3A_105 = tpu.memref_slice %arg2[%add3A_17, %dma_wait3A_104] : memref<2304x2048xf32, #tpu.memory_space<hbm>> -> memref<24x2048xf32, #tpu.memory_space<hbm>>
      tpu.wait_dma2 semaphore(%run_scoped3A_81 : memref<!tpu.dma_semaphore, #tpu.memory_space<semaphore_mem>>) src(%dma_wait3A_105 : memref<24x2048xf32, #tpu.memory_space<hbm>>) dst(%dma_wait3A_103 : memref<24x2048xf32, #tpu.memory_space<vmem>>)
      tpu.yield
    }) : () -> ()
    %dma_wait3A = arith.constant 0 : i32
    %dma_wait3A_19 = arith.constant 0 : i32
    %dma_wait3A_20 = arith.constant 0 : i32
    %dma_wait3A_21 = arith.constant 0 : i32
    %dma_wait3A_22 = tpu.memref_slice %arg6[%dma_wait3A, %dma_wait3A_20, %dma_wait3A_21] : memref<2x24x2048xf32, #tpu.memory_space<vmem>> -> memref<1x24x2048xf32, #tpu.memory_space<vmem>>
    %dma_wait3A_23 = tpu.memref_squeeze %dma_wait3A_22 : memref<1x24x2048xf32, #tpu.memory_space<vmem>> -> memref<24x2048xf32, #tpu.memory_space<vmem>>
    %dma_wait3A_24 = arith.constant 0 : i32
    %dma_wait3A_25 = tpu.memref_slice %arg5[%dma_wait3A_19, %dma_wait3A_24] : memref<3x24xi32, #tpu.memory_space<vmem>> -> memref<1x24xi32, #tpu.memory_space<vmem>>
    %dma_wait3A_26 = tpu.memref_squeeze %dma_wait3A_25 : memref<1x24xi32, #tpu.memory_space<vmem>> -> memref<24xi32, #tpu.memory_space<vmem>>
    %dma_wait3A_27 = arith.constant 0 : i32
    %dma_wait3A_28 = arith.constant 0 : i32
    %dma_wait3A_29 = tpu.memref_slice %arg4[%dma_wait3A_27, %dma_wait3A_28] : memref<2056x2048xf32, #tpu.memory_space<hbm>> -> memref<2056x2048xf32, #tpu.memory_space<hbm>>
    tpu.wait_indirect_dma semaphore(%arg7 : memref<!tpu.dma_semaphore, #tpu.memory_space<semaphore_mem>>) src(%dma_wait3A_23 : memref<24x2048xf32, #tpu.memory_space<vmem>>) dst(%dma_wait3A_29 : memref<2056x2048xf32, #tpu.memory_space<hbm>>)
    %dma_start3A_30 = arith.constant 1 : i32
    %dma_start3A_31 = arith.constant 1 : i32
    %dma_start3A_32 = arith.constant 0 : i32
    %dma_start3A_33 = arith.constant 0 : i32
    %dma_start3A_34 = tpu.memref_slice %arg6[%dma_start3A_30, %dma_start3A_32, %dma_start3A_33] : memref<2x24x2048xf32, #tpu.memory_space<vmem>> -> memref<1x24x2048xf32, #tpu.memory_space<vmem>>
    %dma_start3A_35 = tpu.memref_squeeze %dma_start3A_34 : memref<1x24x2048xf32, #tpu.memory_space<vmem>> -> memref<24x2048xf32, #tpu.memory_space<vmem>>
    %dma_start3A_36 = arith.constant 0 : i32
    %dma_start3A_37 = tpu.memref_slice %arg5[%dma_start3A_31, %dma_start3A_36] : memref<3x24xi32, #tpu.memory_space<vmem>> -> memref<1x24xi32, #tpu.memory_space<vmem>>
    %dma_start3A_38 = tpu.memref_squeeze %dma_start3A_37 : memref<1x24xi32, #tpu.memory_space<vmem>> -> memref<24xi32, #tpu.memory_space<vmem>>
    %dma_start3A_39 = arith.constant 0 : i32
    %dma_start3A_40 = arith.constant 0 : i32
    %dma_start3A_41 = tpu.memref_slice %arg4[%dma_start3A_39, %dma_start3A_40] : memref<2056x2048xf32, #tpu.memory_space<hbm>> -> memref<2056x2048xf32, #tpu.memory_space<hbm>>
    tpu.enqueue_indirect_dma source(%dma_start3A_35 : memref<24x2048xf32, #tpu.memory_space<vmem>>) target(%dma_start3A_41 : memref<2056x2048xf32, #tpu.memory_space<hbm>>) offsets(%dma_start3A_38 : memref<24xi32, #tpu.memory_space<vmem>>) semaphore(%arg8 : memref<!tpu.dma_semaphore, #tpu.memory_space<semaphore_mem>>)
    %add3A_42 = arith.constant 48 : i32
    %add3A_43 = arith.addi %mul3A_2, %add3A_42 : i32
    %run_scoped3A_44 = arith.constant 0 : i32
    "tpu.region"() ({
      %run_scoped3A_81 = tpu.sem_alloc : memref<!tpu.dma_semaphore, #tpu.memory_space<semaphore_mem>>
      %dma_start3A_82 = arith.constant 0 : i32
      %dma_start3A_83 = arith.constant 0 : i32
      %dma_start3A_84 = tpu.memref_slice %arg6[%run_scoped3A_44, %dma_start3A_82, %dma_start3A_83] : memref<2x24x2048xf32, #tpu.memory_space<vmem>> -> memref<1x24x2048xf32, #tpu.memory_space<vmem>>
      %dma_start3A_85 = tpu.memref_squeeze %dma_start3A_84 : memref<1x24x2048xf32, #tpu.memory_space<vmem>> -> memref<24x2048xf32, #tpu.memory_space<vmem>>
      %dma_start3A_86 = arith.constant 0 : i32
      %dma_start3A_87 = tpu.memref_slice %arg2[%add3A_43, %dma_start3A_86] : memref<2304x2048xf32, #tpu.memory_space<hbm>> -> memref<24x2048xf32, #tpu.memory_space<hbm>>
      %dma_start3A_88 = arith.constant 0 : i32
      %dma_start3A_89 = arith.constant 0 : i32
      %dma_start3A_90 = tpu.memref_slice %arg6[%run_scoped3A_44, %dma_start3A_88, %dma_start3A_89] : memref<2x24x2048xf32, #tpu.memory_space<vmem>> -> memref<1x24x2048xf32, #tpu.memory_space<vmem>>
      %dma_start3A_91 = tpu.memref_squeeze %dma_start3A_90 : memref<1x24x2048xf32, #tpu.memory_space<vmem>> -> memref<24x2048xf32, #tpu.memory_space<vmem>>
      %dma_start3A_92 = arith.constant 0 : i32
      %dma_start3A_93 = tpu.memref_slice %arg2[%add3A_43, %dma_start3A_92] : memref<2304x2048xf32, #tpu.memory_space<hbm>> -> memref<24x2048xf32, #tpu.memory_space<hbm>>
      tpu.enqueue_dma source(%dma_start3A_93 : memref<24x2048xf32, #tpu.memory_space<hbm>>) target(%dma_start3A_91 : memref<24x2048xf32, #tpu.memory_space<vmem>>) target_semaphore(%run_scoped3A_81 : memref<!tpu.dma_semaphore, #tpu.memory_space<semaphore_mem>>)
      %dma_wait3A_94 = arith.constant 0 : i32
      %dma_wait3A_95 = arith.constant 0 : i32
      %dma_wait3A_96 = tpu.memref_slice %arg6[%run_scoped3A_44, %dma_wait3A_94, %dma_wait3A_95] : memref<2x24x2048xf32, #tpu.memory_space<vmem>> -> memref<1x24x2048xf32, #tpu.memory_space<vmem>>
      %dma_wait3A_97 = tpu.memref_squeeze %dma_wait3A_96 : memref<1x24x2048xf32, #tpu.memory_space<vmem>> -> memref<24x2048xf32, #tpu.memory_space<vmem>>
      %dma_wait3A_98 = arith.constant 0 : i32
      %dma_wait3A_99 = tpu.memref_slice %arg2[%add3A_43, %dma_wait3A_98] : memref<2304x2048xf32, #tpu.memory_space<hbm>> -> memref<24x2048xf32, #tpu.memory_space<hbm>>
      %dma_wait3A_100 = arith.constant 0 : i32
      %dma_wait3A_101 = arith.constant 0 : i32
      %dma_wait3A_102 = tpu.memref_slice %arg6[%run_scoped3A_44, %dma_wait3A_100, %dma_wait3A_101] : memref<2x24x2048xf32, #tpu.memory_space<vmem>> -> memref<1x24x2048xf32, #tpu.memory_space<vmem>>
      %dma_wait3A_103 = tpu.memref_squeeze %dma_wait3A_102 : memref<1x24x2048xf32, #tpu.memory_space<vmem>> -> memref<24x2048xf32, #tpu.memory_space<vmem>>
      %dma_wait3A_104 = arith.constant 0 : i32
      %dma_wait3A_105 = tpu.memref_slice %arg2[%add3A_43, %dma_wait3A_104] : memref<2304x2048xf32, #tpu.memory_space<hbm>> -> memref<24x2048xf32, #tpu.memory_space<hbm>>
      tpu.wait_dma2 semaphore(%run_scoped3A_81 : memref<!tpu.dma_semaphore, #tpu.memory_space<semaphore_mem>>) src(%dma_wait3A_105 : memref<24x2048xf32, #tpu.memory_space<hbm>>) dst(%dma_wait3A_103 : memref<24x2048xf32, #tpu.memory_space<vmem>>)
      tpu.yield
    }) : () -> ()
    %dma_wait3A_45 = arith.constant 1 : i32
    %dma_wait3A_46 = arith.constant 1 : i32
    %dma_wait3A_47 = arith.constant 0 : i32
    %dma_wait3A_48 = arith.constant 0 : i32
    %dma_wait3A_49 = tpu.memref_slice %arg6[%dma_wait3A_45, %dma_wait3A_47, %dma_wait3A_48] : memref<2x24x2048xf32, #tpu.memory_space<vmem>> -> memref<1x24x2048xf32, #tpu.memory_space<vmem>>
    %dma_wait3A_50 = tpu.memref_squeeze %dma_wait3A_49 : memref<1x24x2048xf32, #tpu.memory_space<vmem>> -> memref<24x2048xf32, #tpu.memory_space<vmem>>
    %dma_wait3A_51 = arith.constant 0 : i32
    %dma_wait3A_52 = tpu.memref_slice %arg5[%dma_wait3A_46, %dma_wait3A_51] : memref<3x24xi32, #tpu.memory_space<vmem>> -> memref<1x24xi32, #tpu.memory_space<vmem>>
    %dma_wait3A_53 = tpu.memref_squeeze %dma_wait3A_52 : memref<1x24xi32, #tpu.memory_space<vmem>> -> memref<24xi32, #tpu.memory_space<vmem>>
    %dma_wait3A_54 = arith.constant 0 : i32
    %dma_wait3A_55 = arith.constant 0 : i32
    %dma_wait3A_56 = tpu.memref_slice %arg4[%dma_wait3A_54, %dma_wait3A_55] : memref<2056x2048xf32, #tpu.memory_space<hbm>> -> memref<2056x2048xf32, #tpu.memory_space<hbm>>
    tpu.wait_indirect_dma semaphore(%arg8 : memref<!tpu.dma_semaphore, #tpu.memory_space<semaphore_mem>>) src(%dma_wait3A_50 : memref<24x2048xf32, #tpu.memory_space<vmem>>) dst(%dma_wait3A_56 : memref<2056x2048xf32, #tpu.memory_space<hbm>>)
    %dma_start3A_57 = arith.constant 0 : i32
    %dma_start3A_58 = arith.constant 2 : i32
    %dma_start3A_59 = arith.constant 0 : i32
    %dma_start3A_60 = arith.constant 0 : i32
    %dma_start3A_61 = tpu.memref_slice %arg6[%dma_start3A_57, %dma_start3A_59, %dma_start3A_60] : memref<2x24x2048xf32, #tpu.memory_space<vmem>> -> memref<1x24x2048xf32, #tpu.memory_space<vmem>>
    %dma_start3A_62 = tpu.memref_squeeze %dma_start3A_61 : memref<1x24x2048xf32, #tpu.memory_space<vmem>> -> memref<24x2048xf32, #tpu.memory_space<vmem>>
    %dma_start3A_63 = arith.constant 0 : i32
    %dma_start3A_64 = tpu.memref_slice %arg5[%dma_start3A_58, %dma_start3A_63] : memref<3x24xi32, #tpu.memory_space<vmem>> -> memref<1x24xi32, #tpu.memory_space<vmem>>
    %dma_start3A_65 = tpu.memref_squeeze %dma_start3A_64 : memref<1x24xi32, #tpu.memory_space<vmem>> -> memref<24xi32, #tpu.memory_space<vmem>>
    %dma_start3A_66 = arith.constant 0 : i32
    %dma_start3A_67 = arith.constant 0 : i32
    %dma_start3A_68 = tpu.memref_slice %arg4[%dma_start3A_66, %dma_start3A_67] : memref<2056x2048xf32, #tpu.memory_space<hbm>> -> memref<2056x2048xf32, #tpu.memory_space<hbm>>
    tpu.enqueue_indirect_dma source(%dma_start3A_62 : memref<24x2048xf32, #tpu.memory_space<vmem>>) target(%dma_start3A_68 : memref<2056x2048xf32, #tpu.memory_space<hbm>>) offsets(%dma_start3A_65 : memref<24xi32, #tpu.memory_space<vmem>>) semaphore(%arg7 : memref<!tpu.dma_semaphore, #tpu.memory_space<semaphore_mem>>)
    %dma_wait3A_69 = arith.constant 0 : i32
    %dma_wait3A_70 = arith.constant 2 : i32
    %dma_wait3A_71 = arith.constant 0 : i32
    %dma_wait3A_72 = arith.constant 0 : i32
    %dma_wait3A_73 = tpu.memref_slice %arg6[%dma_wait3A_69, %dma_wait3A_71, %dma_wait3A_72] : memref<2x24x2048xf32, #tpu.memory_space<vmem>> -> memref<1x24x2048xf32, #tpu.memory_space<vmem>>
    %dma_wait3A_74 = tpu.memref_squeeze %dma_wait3A_73 : memref<1x24x2048xf32, #tpu.memory_space<vmem>> -> memref<24x2048xf32, #tpu.memory_space<vmem>>
    %dma_wait3A_75 = arith.constant 0 : i32
    %dma_wait3A_76 = tpu.memref_slice %arg5[%dma_wait3A_70, %dma_wait3A_75] : memref<3x24xi32, #tpu.memory_space<vmem>> -> memref<1x24xi32, #tpu.memory_space<vmem>>
    %dma_wait3A_77 = tpu.memref_squeeze %dma_wait3A_76 : memref<1x24xi32, #tpu.memory_space<vmem>> -> memref<24xi32, #tpu.memory_space<vmem>>
    %dma_wait3A_78 = arith.constant 0 : i32
    %dma_wait3A_79 = arith.constant 0 : i32
    %dma_wait3A_80 = tpu.memref_slice %arg4[%dma_wait3A_78, %dma_wait3A_79] : memref<2056x2048xf32, #tpu.memory_space<hbm>> -> memref<2056x2048xf32, #tpu.memory_space<hbm>>
    tpu.wait_indirect_dma semaphore(%arg7 : memref<!tpu.dma_semaphore, #tpu.memory_space<semaphore_mem>>) src(%dma_wait3A_74 : memref<24x2048xf32, #tpu.memory_space<vmem>>) dst(%dma_wait3A_80 : memref<2056x2048xf32, #tpu.memory_space<hbm>>)
    return
  }
}

#map = affine_map<(d0, d1) -> (0, 0)>
#map1 = affine_map<(d0, d1) -> (0)>
module attributes {stable_mosaic.version = 14 : i64} {
  func.func @_gather(%arg0: i32, %arg1: i32, %arg2: memref<2048x2048xf32, #tpu.memory_space<hbm>>, %arg3: memref<2304xi32, #tpu.memory_space<hbm>>, %arg4: memref<2304x2048xf32, #tpu.memory_space<hbm>>, %arg5: memref<72xi32, #tpu.memory_space<vmem>>, %arg6: memref<2x24x2048xf32, #tpu.memory_space<vmem>>, %arg7: memref<!tpu.dma_semaphore, #tpu.memory_space<semaphore_mem>>, %arg8: memref<!tpu.dma_semaphore, #tpu.memory_space<semaphore_mem>>) attributes {dimension_semantics = [#tpu.dimension_semantics<core_parallel>, #tpu.dimension_semantics<subcore_parallel>], iteration_bounds = array<i64: 2, 16>, scalar_prefetch = 0 : i64, scratch_operands = 4 : i64, tpu.core_type = #tpu.core_type<sc_vector_subcore>, window_params = [{transform_indices = #map}, {transform_indices = #map1}, {transform_indices = #map}]} {
    %mul3A = arith.constant 2 : i32
    %mul3A_0 = arith.muli %arg1, %mul3A : i32
    %add3A = arith.addi %mul3A_0, %arg0 : i32
    %mul3A_1 = arith.constant 72 : i32
    %mul3A_2 = arith.muli %add3A, %mul3A_1 : i32
    "tpu.region"() ({
      %run_scoped3A_69 = tpu.sem_alloc : memref<!tpu.dma_semaphore, #tpu.memory_space<semaphore_mem>>
      %dma_start3A_70 = tpu.memref_slice %arg3[%mul3A_2] : memref<2304xi32, #tpu.memory_space<hbm>> -> memref<72xi32, #tpu.memory_space<hbm>>
      %dma_start3A_71 = tpu.memref_slice %arg3[%mul3A_2] : memref<2304xi32, #tpu.memory_space<hbm>> -> memref<72xi32, #tpu.memory_space<hbm>>
      tpu.enqueue_dma source(%dma_start3A_71 : memref<72xi32, #tpu.memory_space<hbm>>) target(%arg5 : memref<72xi32, #tpu.memory_space<vmem>>) target_semaphore(%run_scoped3A_69 : memref<!tpu.dma_semaphore, #tpu.memory_space<semaphore_mem>>)
      %dma_wait3A_72 = tpu.memref_slice %arg3[%mul3A_2] : memref<2304xi32, #tpu.memory_space<hbm>> -> memref<72xi32, #tpu.memory_space<hbm>>
      %dma_wait3A_73 = tpu.memref_slice %arg3[%mul3A_2] : memref<2304xi32, #tpu.memory_space<hbm>> -> memref<72xi32, #tpu.memory_space<hbm>>
      tpu.wait_dma2 semaphore(%run_scoped3A_69 : memref<!tpu.dma_semaphore, #tpu.memory_space<semaphore_mem>>) src(%dma_wait3A_73 : memref<72xi32, #tpu.memory_space<hbm>>) dst(%arg5 : memref<72xi32, #tpu.memory_space<vmem>>)
      tpu.yield
    }) : () -> ()
    %dma_start3A = arith.constant 0 : i32
    %dma_start3A_3 = arith.constant 0 : i32
    %dma_start3A_4 = arith.constant 0 : i32
    %dma_start3A_5 = tpu.memref_slice %arg6[%dma_start3A, %dma_start3A_3, %dma_start3A_4] : memref<2x24x2048xf32, #tpu.memory_space<vmem>> -> memref<1x24x2048xf32, #tpu.memory_space<vmem>>
    %dma_start3A_6 = tpu.memref_squeeze %dma_start3A_5 : memref<1x24x2048xf32, #tpu.memory_space<vmem>> -> memref<24x2048xf32, #tpu.memory_space<vmem>>
    %dma_start3A_7 = arith.constant 0 : i32
    %dma_start3A_8 = tpu.memref_slice %arg5[%dma_start3A_7] : memref<72xi32, #tpu.memory_space<vmem>> -> memref<24xi32, #tpu.memory_space<vmem>>
    %dma_start3A_9 = arith.constant 0 : i32
    %dma_start3A_10 = arith.constant 0 : i32
    %dma_start3A_11 = tpu.memref_slice %arg2[%dma_start3A_9, %dma_start3A_10] : memref<2048x2048xf32, #tpu.memory_space<hbm>> -> memref<2048x2048xf32, #tpu.memory_space<hbm>>
    tpu.enqueue_indirect_dma source(%dma_start3A_11 : memref<2048x2048xf32, #tpu.memory_space<hbm>>) target(%dma_start3A_6 : memref<24x2048xf32, #tpu.memory_space<vmem>>) offsets(%dma_start3A_8 : memref<24xi32, #tpu.memory_space<vmem>>) semaphore(%arg7 : memref<!tpu.dma_semaphore, #tpu.memory_space<semaphore_mem>>)
    %dma_start3A_12 = arith.constant 1 : i32
    %dma_start3A_13 = arith.constant 0 : i32
    %dma_start3A_14 = arith.constant 0 : i32
    %dma_start3A_15 = tpu.memref_slice %arg6[%dma_start3A_12, %dma_start3A_13, %dma_start3A_14] : memref<2x24x2048xf32, #tpu.memory_space<vmem>> -> memref<1x24x2048xf32, #tpu.memory_space<vmem>>
    %dma_start3A_16 = tpu.memref_squeeze %dma_start3A_15 : memref<1x24x2048xf32, #tpu.memory_space<vmem>> -> memref<24x2048xf32, #tpu.memory_space<vmem>>
    %dma_start3A_17 = arith.constant 24 : i32
    %dma_start3A_18 = tpu.memref_slice %arg5[%dma_start3A_17] : memref<72xi32, #tpu.memory_space<vmem>> -> memref<24xi32, #tpu.memory_space<vmem>>
    %dma_start3A_19 = arith.constant 0 : i32
    %dma_start3A_20 = arith.constant 0 : i32
    %dma_start3A_21 = tpu.memref_slice %arg2[%dma_start3A_19, %dma_start3A_20] : memref<2048x2048xf32, #tpu.memory_space<hbm>> -> memref<2048x2048xf32, #tpu.memory_space<hbm>>
    tpu.enqueue_indirect_dma source(%dma_start3A_21 : memref<2048x2048xf32, #tpu.memory_space<hbm>>) target(%dma_start3A_16 : memref<24x2048xf32, #tpu.memory_space<vmem>>) offsets(%dma_start3A_18 : memref<24xi32, #tpu.memory_space<vmem>>) semaphore(%arg8 : memref<!tpu.dma_semaphore, #tpu.memory_space<semaphore_mem>>)
    %dma_wait3A = arith.constant 0 : i32
    %dma_wait3A_22 = arith.constant 0 : i32
    %dma_wait3A_23 = arith.constant 0 : i32
    %dma_wait3A_24 = tpu.memref_slice %arg6[%dma_wait3A, %dma_wait3A_22, %dma_wait3A_23] : memref<2x24x2048xf32, #tpu.memory_space<vmem>> -> memref<1x24x2048xf32, #tpu.memory_space<vmem>>
    %dma_wait3A_25 = tpu.memref_squeeze %dma_wait3A_24 : memref<1x24x2048xf32, #tpu.memory_space<vmem>> -> memref<24x2048xf32, #tpu.memory_space<vmem>>
    %dma_wait3A_26 = arith.constant 0 : i32
    %dma_wait3A_27 = tpu.memref_slice %arg5[%dma_wait3A_26] : memref<72xi32, #tpu.memory_space<vmem>> -> memref<24xi32, #tpu.memory_space<vmem>>
    %dma_wait3A_28 = arith.constant 0 : i32
    %dma_wait3A_29 = arith.constant 0 : i32
    %dma_wait3A_30 = tpu.memref_slice %arg2[%dma_wait3A_28, %dma_wait3A_29] : memref<2048x2048xf32, #tpu.memory_space<hbm>> -> memref<2048x2048xf32, #tpu.memory_space<hbm>>
    tpu.wait_indirect_dma semaphore(%arg7 : memref<!tpu.dma_semaphore, #tpu.memory_space<semaphore_mem>>) src(%dma_wait3A_30 : memref<2048x2048xf32, #tpu.memory_space<hbm>>) dst(%dma_wait3A_25 : memref<24x2048xf32, #tpu.memory_space<vmem>>)
    %add3A_31 = arith.constant 0 : i32
    %add3A_32 = arith.addi %mul3A_2, %add3A_31 : i32
    %run_scoped3A = arith.constant 0 : i32
    "tpu.region"() ({
      %run_scoped3A_69 = tpu.sem_alloc : memref<!tpu.dma_semaphore, #tpu.memory_space<semaphore_mem>>
      %dma_start3A_70 = arith.constant 0 : i32
      %dma_start3A_71 = arith.constant 0 : i32
      %dma_start3A_72 = tpu.memref_slice %arg6[%run_scoped3A, %dma_start3A_70, %dma_start3A_71] : memref<2x24x2048xf32, #tpu.memory_space<vmem>> -> memref<1x24x2048xf32, #tpu.memory_space<vmem>>
      %dma_start3A_73 = tpu.memref_squeeze %dma_start3A_72 : memref<1x24x2048xf32, #tpu.memory_space<vmem>> -> memref<24x2048xf32, #tpu.memory_space<vmem>>
      %dma_start3A_74 = arith.constant 0 : i32
      %dma_start3A_75 = tpu.memref_slice %arg4[%add3A_32, %dma_start3A_74] : memref<2304x2048xf32, #tpu.memory_space<hbm>> -> memref<24x2048xf32, #tpu.memory_space<hbm>>
      %dma_start3A_76 = arith.constant 0 : i32
      %dma_start3A_77 = tpu.memref_slice %arg4[%add3A_32, %dma_start3A_76] : memref<2304x2048xf32, #tpu.memory_space<hbm>> -> memref<24x2048xf32, #tpu.memory_space<hbm>>
      %dma_start3A_78 = arith.constant 0 : i32
      %dma_start3A_79 = arith.constant 0 : i32
      %dma_start3A_80 = tpu.memref_slice %arg6[%run_scoped3A, %dma_start3A_78, %dma_start3A_79] : memref<2x24x2048xf32, #tpu.memory_space<vmem>> -> memref<1x24x2048xf32, #tpu.memory_space<vmem>>
      %dma_start3A_81 = tpu.memref_squeeze %dma_start3A_80 : memref<1x24x2048xf32, #tpu.memory_space<vmem>> -> memref<24x2048xf32, #tpu.memory_space<vmem>>
      tpu.enqueue_dma source(%dma_start3A_81 : memref<24x2048xf32, #tpu.memory_space<vmem>>) target(%dma_start3A_77 : memref<24x2048xf32, #tpu.memory_space<hbm>>) target_semaphore(%run_scoped3A_69 : memref<!tpu.dma_semaphore, #tpu.memory_space<semaphore_mem>>)
      %dma_wait3A_82 = arith.constant 0 : i32
      %dma_wait3A_83 = arith.constant 0 : i32
      %dma_wait3A_84 = tpu.memref_slice %arg6[%run_scoped3A, %dma_wait3A_82, %dma_wait3A_83] : memref<2x24x2048xf32, #tpu.memory_space<vmem>> -> memref<1x24x2048xf32, #tpu.memory_space<vmem>>
      %dma_wait3A_85 = tpu.memref_squeeze %dma_wait3A_84 : memref<1x24x2048xf32, #tpu.memory_space<vmem>> -> memref<24x2048xf32, #tpu.memory_space<vmem>>
      %dma_wait3A_86 = arith.constant 0 : i32
      %dma_wait3A_87 = tpu.memref_slice %arg4[%add3A_32, %dma_wait3A_86] : memref<2304x2048xf32, #tpu.memory_space<hbm>> -> memref<24x2048xf32, #tpu.memory_space<hbm>>
      %dma_wait3A_88 = arith.constant 0 : i32
      %dma_wait3A_89 = tpu.memref_slice %arg4[%add3A_32, %dma_wait3A_88] : memref<2304x2048xf32, #tpu.memory_space<hbm>> -> memref<24x2048xf32, #tpu.memory_space<hbm>>
      %dma_wait3A_90 = arith.constant 0 : i32
      %dma_wait3A_91 = arith.constant 0 : i32
      %dma_wait3A_92 = tpu.memref_slice %arg6[%run_scoped3A, %dma_wait3A_90, %dma_wait3A_91] : memref<2x24x2048xf32, #tpu.memory_space<vmem>> -> memref<1x24x2048xf32, #tpu.memory_space<vmem>>
      %dma_wait3A_93 = tpu.memref_squeeze %dma_wait3A_92 : memref<1x24x2048xf32, #tpu.memory_space<vmem>> -> memref<24x2048xf32, #tpu.memory_space<vmem>>
      tpu.wait_dma2 semaphore(%run_scoped3A_69 : memref<!tpu.dma_semaphore, #tpu.memory_space<semaphore_mem>>) src(%dma_wait3A_93 : memref<24x2048xf32, #tpu.memory_space<vmem>>) dst(%dma_wait3A_89 : memref<24x2048xf32, #tpu.memory_space<hbm>>)
      tpu.yield
    }) : () -> ()
    %dma_start3A_33 = arith.constant 0 : i32
    %dma_start3A_34 = arith.constant 0 : i32
    %dma_start3A_35 = arith.constant 0 : i32
    %dma_start3A_36 = tpu.memref_slice %arg6[%dma_start3A_33, %dma_start3A_34, %dma_start3A_35] : memref<2x24x2048xf32, #tpu.memory_space<vmem>> -> memref<1x24x2048xf32, #tpu.memory_space<vmem>>
    %dma_start3A_37 = tpu.memref_squeeze %dma_start3A_36 : memref<1x24x2048xf32, #tpu.memory_space<vmem>> -> memref<24x2048xf32, #tpu.memory_space<vmem>>
    %dma_start3A_38 = arith.constant 48 : i32
    %dma_start3A_39 = tpu.memref_slice %arg5[%dma_start3A_38] : memref<72xi32, #tpu.memory_space<vmem>> -> memref<24xi32, #tpu.memory_space<vmem>>
    %dma_start3A_40 = arith.constant 0 : i32
    %dma_start3A_41 = arith.constant 0 : i32
    %dma_start3A_42 = tpu.memref_slice %arg2[%dma_start3A_40, %dma_start3A_41] : memref<2048x2048xf32, #tpu.memory_space<hbm>> -> memref<2048x2048xf32, #tpu.memory_space<hbm>>
    tpu.enqueue_indirect_dma source(%dma_start3A_42 : memref<2048x2048xf32, #tpu.memory_space<hbm>>) target(%dma_start3A_37 : memref<24x2048xf32, #tpu.memory_space<vmem>>) offsets(%dma_start3A_39 : memref<24xi32, #tpu.memory_space<vmem>>) semaphore(%arg7 : memref<!tpu.dma_semaphore, #tpu.memory_space<semaphore_mem>>)
    %dma_wait3A_43 = arith.constant 1 : i32
    %dma_wait3A_44 = arith.constant 0 : i32
    %dma_wait3A_45 = arith.constant 0 : i32
    %dma_wait3A_46 = tpu.memref_slice %arg6[%dma_wait3A_43, %dma_wait3A_44, %dma_wait3A_45] : memref<2x24x2048xf32, #tpu.memory_space<vmem>> -> memref<1x24x2048xf32, #tpu.memory_space<vmem>>
    %dma_wait3A_47 = tpu.memref_squeeze %dma_wait3A_46 : memref<1x24x2048xf32, #tpu.memory_space<vmem>> -> memref<24x2048xf32, #tpu.memory_space<vmem>>
    %dma_wait3A_48 = arith.constant 24 : i32
    %dma_wait3A_49 = tpu.memref_slice %arg5[%dma_wait3A_48] : memref<72xi32, #tpu.memory_space<vmem>> -> memref<24xi32, #tpu.memory_space<vmem>>
    %dma_wait3A_50 = arith.constant 0 : i32
    %dma_wait3A_51 = arith.constant 0 : i32
    %dma_wait3A_52 = tpu.memref_slice %arg2[%dma_wait3A_50, %dma_wait3A_51] : memref<2048x2048xf32, #tpu.memory_space<hbm>> -> memref<2048x2048xf32, #tpu.memory_space<hbm>>
    tpu.wait_indirect_dma semaphore(%arg8 : memref<!tpu.dma_semaphore, #tpu.memory_space<semaphore_mem>>) src(%dma_wait3A_52 : memref<2048x2048xf32, #tpu.memory_space<hbm>>) dst(%dma_wait3A_47 : memref<24x2048xf32, #tpu.memory_space<vmem>>)
    %add3A_53 = arith.constant 24 : i32
    %add3A_54 = arith.addi %mul3A_2, %add3A_53 : i32
    %run_scoped3A_55 = arith.constant 1 : i32
    "tpu.region"() ({
      %run_scoped3A_69 = tpu.sem_alloc : memref<!tpu.dma_semaphore, #tpu.memory_space<semaphore_mem>>
      %dma_start3A_70 = arith.constant 0 : i32
      %dma_start3A_71 = arith.constant 0 : i32
      %dma_start3A_72 = tpu.memref_slice %arg6[%run_scoped3A_55, %dma_start3A_70, %dma_start3A_71] : memref<2x24x2048xf32, #tpu.memory_space<vmem>> -> memref<1x24x2048xf32, #tpu.memory_space<vmem>>
      %dma_start3A_73 = tpu.memref_squeeze %dma_start3A_72 : memref<1x24x2048xf32, #tpu.memory_space<vmem>> -> memref<24x2048xf32, #tpu.memory_space<vmem>>
      %dma_start3A_74 = arith.constant 0 : i32
      %dma_start3A_75 = tpu.memref_slice %arg4[%add3A_54, %dma_start3A_74] : memref<2304x2048xf32, #tpu.memory_space<hbm>> -> memref<24x2048xf32, #tpu.memory_space<hbm>>
      %dma_start3A_76 = arith.constant 0 : i32
      %dma_start3A_77 = tpu.memref_slice %arg4[%add3A_54, %dma_start3A_76] : memref<2304x2048xf32, #tpu.memory_space<hbm>> -> memref<24x2048xf32, #tpu.memory_space<hbm>>
      %dma_start3A_78 = arith.constant 0 : i32
      %dma_start3A_79 = arith.constant 0 : i32
      %dma_start3A_80 = tpu.memref_slice %arg6[%run_scoped3A_55, %dma_start3A_78, %dma_start3A_79] : memref<2x24x2048xf32, #tpu.memory_space<vmem>> -> memref<1x24x2048xf32, #tpu.memory_space<vmem>>
      %dma_start3A_81 = tpu.memref_squeeze %dma_start3A_80 : memref<1x24x2048xf32, #tpu.memory_space<vmem>> -> memref<24x2048xf32, #tpu.memory_space<vmem>>
      tpu.enqueue_dma source(%dma_start3A_81 : memref<24x2048xf32, #tpu.memory_space<vmem>>) target(%dma_start3A_77 : memref<24x2048xf32, #tpu.memory_space<hbm>>) target_semaphore(%run_scoped3A_69 : memref<!tpu.dma_semaphore, #tpu.memory_space<semaphore_mem>>)
      %dma_wait3A_82 = arith.constant 0 : i32
      %dma_wait3A_83 = arith.constant 0 : i32
      %dma_wait3A_84 = tpu.memref_slice %arg6[%run_scoped3A_55, %dma_wait3A_82, %dma_wait3A_83] : memref<2x24x2048xf32, #tpu.memory_space<vmem>> -> memref<1x24x2048xf32, #tpu.memory_space<vmem>>
      %dma_wait3A_85 = tpu.memref_squeeze %dma_wait3A_84 : memref<1x24x2048xf32, #tpu.memory_space<vmem>> -> memref<24x2048xf32, #tpu.memory_space<vmem>>
      %dma_wait3A_86 = arith.constant 0 : i32
      %dma_wait3A_87 = tpu.memref_slice %arg4[%add3A_54, %dma_wait3A_86] : memref<2304x2048xf32, #tpu.memory_space<hbm>> -> memref<24x2048xf32, #tpu.memory_space<hbm>>
      %dma_wait3A_88 = arith.constant 0 : i32
      %dma_wait3A_89 = tpu.memref_slice %arg4[%add3A_54, %dma_wait3A_88] : memref<2304x2048xf32, #tpu.memory_space<hbm>> -> memref<24x2048xf32, #tpu.memory_space<hbm>>
      %dma_wait3A_90 = arith.constant 0 : i32
      %dma_wait3A_91 = arith.constant 0 : i32
      %dma_wait3A_92 = tpu.memref_slice %arg6[%run_scoped3A_55, %dma_wait3A_90, %dma_wait3A_91] : memref<2x24x2048xf32, #tpu.memory_space<vmem>> -> memref<1x24x2048xf32, #tpu.memory_space<vmem>>
      %dma_wait3A_93 = tpu.memref_squeeze %dma_wait3A_92 : memref<1x24x2048xf32, #tpu.memory_space<vmem>> -> memref<24x2048xf32, #tpu.memory_space<vmem>>
      tpu.wait_dma2 semaphore(%run_scoped3A_69 : memref<!tpu.dma_semaphore, #tpu.memory_space<semaphore_mem>>) src(%dma_wait3A_93 : memref<24x2048xf32, #tpu.memory_space<vmem>>) dst(%dma_wait3A_89 : memref<24x2048xf32, #tpu.memory_space<hbm>>)
      tpu.yield
    }) : () -> ()
    %dma_wait3A_56 = arith.constant 0 : i32
    %dma_wait3A_57 = arith.constant 0 : i32
    %dma_wait3A_58 = arith.constant 0 : i32
    %dma_wait3A_59 = tpu.memref_slice %arg6[%dma_wait3A_56, %dma_wait3A_57, %dma_wait3A_58] : memref<2x24x2048xf32, #tpu.memory_space<vmem>> -> memref<1x24x2048xf32, #tpu.memory_space<vmem>>
    %dma_wait3A_60 = tpu.memref_squeeze %dma_wait3A_59 : memref<1x24x2048xf32, #tpu.memory_space<vmem>> -> memref<24x2048xf32, #tpu.memory_space<vmem>>
    %dma_wait3A_61 = arith.constant 48 : i32
    %dma_wait3A_62 = tpu.memref_slice %arg5[%dma_wait3A_61] : memref<72xi32, #tpu.memory_space<vmem>> -> memref<24xi32, #tpu.memory_space<vmem>>
    %dma_wait3A_63 = arith.constant 0 : i32
    %dma_wait3A_64 = arith.constant 0 : i32
    %dma_wait3A_65 = tpu.memref_slice %arg2[%dma_wait3A_63, %dma_wait3A_64] : memref<2048x2048xf32, #tpu.memory_space<hbm>> -> memref<2048x2048xf32, #tpu.memory_space<hbm>>
    tpu.wait_indirect_dma semaphore(%arg7 : memref<!tpu.dma_semaphore, #tpu.memory_space<semaphore_mem>>) src(%dma_wait3A_65 : memref<2048x2048xf32, #tpu.memory_space<hbm>>) dst(%dma_wait3A_60 : memref<24x2048xf32, #tpu.memory_space<vmem>>)
    %add3A_66 = arith.constant 48 : i32
    %add3A_67 = arith.addi %mul3A_2, %add3A_66 : i32
    %run_scoped3A_68 = arith.constant 0 : i32
    "tpu.region"() ({
      %run_scoped3A_69 = tpu.sem_alloc : memref<!tpu.dma_semaphore, #tpu.memory_space<semaphore_mem>>
      %dma_start3A_70 = arith.constant 0 : i32
      %dma_start3A_71 = arith.constant 0 : i32
      %dma_start3A_72 = tpu.memref_slice %arg6[%run_scoped3A_68, %dma_start3A_70, %dma_start3A_71] : memref<2x24x2048xf32, #tpu.memory_space<vmem>> -> memref<1x24x2048xf32, #tpu.memory_space<vmem>>
      %dma_start3A_73 = tpu.memref_squeeze %dma_start3A_72 : memref<1x24x2048xf32, #tpu.memory_space<vmem>> -> memref<24x2048xf32, #tpu.memory_space<vmem>>
      %dma_start3A_74 = arith.constant 0 : i32
      %dma_start3A_75 = tpu.memref_slice %arg4[%add3A_67, %dma_start3A_74] : memref<2304x2048xf32, #tpu.memory_space<hbm>> -> memref<24x2048xf32, #tpu.memory_space<hbm>>
      %dma_start3A_76 = arith.constant 0 : i32
      %dma_start3A_77 = tpu.memref_slice %arg4[%add3A_67, %dma_start3A_76] : memref<2304x2048xf32, #tpu.memory_space<hbm>> -> memref<24x2048xf32, #tpu.memory_space<hbm>>
      %dma_start3A_78 = arith.constant 0 : i32
      %dma_start3A_79 = arith.constant 0 : i32
      %dma_start3A_80 = tpu.memref_slice %arg6[%run_scoped3A_68, %dma_start3A_78, %dma_start3A_79] : memref<2x24x2048xf32, #tpu.memory_space<vmem>> -> memref<1x24x2048xf32, #tpu.memory_space<vmem>>
      %dma_start3A_81 = tpu.memref_squeeze %dma_start3A_80 : memref<1x24x2048xf32, #tpu.memory_space<vmem>> -> memref<24x2048xf32, #tpu.memory_space<vmem>>
      tpu.enqueue_dma source(%dma_start3A_81 : memref<24x2048xf32, #tpu.memory_space<vmem>>) target(%dma_start3A_77 : memref<24x2048xf32, #tpu.memory_space<hbm>>) target_semaphore(%run_scoped3A_69 : memref<!tpu.dma_semaphore, #tpu.memory_space<semaphore_mem>>)
      %dma_wait3A_82 = arith.constant 0 : i32
      %dma_wait3A_83 = arith.constant 0 : i32
      %dma_wait3A_84 = tpu.memref_slice %arg6[%run_scoped3A_68, %dma_wait3A_82, %dma_wait3A_83] : memref<2x24x2048xf32, #tpu.memory_space<vmem>> -> memref<1x24x2048xf32, #tpu.memory_space<vmem>>
      %dma_wait3A_85 = tpu.memref_squeeze %dma_wait3A_84 : memref<1x24x2048xf32, #tpu.memory_space<vmem>> -> memref<24x2048xf32, #tpu.memory_space<vmem>>
      %dma_wait3A_86 = arith.constant 0 : i32
      %dma_wait3A_87 = tpu.memref_slice %arg4[%add3A_67, %dma_wait3A_86] : memref<2304x2048xf32, #tpu.memory_space<hbm>> -> memref<24x2048xf32, #tpu.memory_space<hbm>>
      %dma_wait3A_88 = arith.constant 0 : i32
      %dma_wait3A_89 = tpu.memref_slice %arg4[%add3A_67, %dma_wait3A_88] : memref<2304x2048xf32, #tpu.memory_space<hbm>> -> memref<24x2048xf32, #tpu.memory_space<hbm>>
      %dma_wait3A_90 = arith.constant 0 : i32
      %dma_wait3A_91 = arith.constant 0 : i32
      %dma_wait3A_92 = tpu.memref_slice %arg6[%run_scoped3A_68, %dma_wait3A_90, %dma_wait3A_91] : memref<2x24x2048xf32, #tpu.memory_space<vmem>> -> memref<1x24x2048xf32, #tpu.memory_space<vmem>>
      %dma_wait3A_93 = tpu.memref_squeeze %dma_wait3A_92 : memref<1x24x2048xf32, #tpu.memory_space<vmem>> -> memref<24x2048xf32, #tpu.memory_space<vmem>>
      tpu.wait_dma2 semaphore(%run_scoped3A_69 : memref<!tpu.dma_semaphore, #tpu.memory_space<semaphore_mem>>) src(%dma_wait3A_93 : memref<24x2048xf32, #tpu.memory_space<vmem>>) dst(%dma_wait3A_89 : memref<24x2048xf32, #tpu.memory_space<hbm>>)
      tpu.yield
    }) : () -> ()
    return
  }
}

module attributes {stable_mosaic.version = 14 : i64} {
  func.func @_ffn_a_body(%arg0: i32, %arg1: i32, %arg2: memref<16xi32, #tpu.memory_space<smem>>, %arg3: memref<2304x2048xf32, #tpu.memory_space<vmem>>, %arg4: memref<512x2048xf32, #tpu.memory_space<vmem>>, %arg5: memref<512x2048xf32, #tpu.memory_space<vmem>>, %arg6: memref<512x2048xf32, #tpu.memory_space<vmem>>, %arg7: memref<512x2048xf32, #tpu.memory_space<vmem>>, %arg8: memref<256x512xbf16, #tpu.memory_space<vmem>>) attributes {dimension_semantics = [#tpu.dimension_semantics<arbitrary>, #tpu.dimension_semantics<arbitrary>], iteration_bounds = array<i64: 11, 9>, scalar_prefetch = 1 : i64, scratch_operands = 0 : i64, tpu.core_type = #tpu.core_type<tc>, window_params = [{pipeline_mode = #tpu.pipeline_mode<synchronous>, transform_indices = @transform_0, window_bounds = array<i64: 2304, 2048>}, {transform_indices = @transform_1, window_bounds = array<i64: 512, 2048>}, {transform_indices = @transform_2, window_bounds = array<i64: 512, 2048>}, {transform_indices = @transform_3, window_bounds = array<i64: 512, 2048>}, {transform_indices = @transform_4, window_bounds = array<i64: 512, 2048>}, {transform_indices = @transform_5, window_bounds = array<i64: 256, 512>}]} {
    %mul3A = arith.constant 1 : i32
    %mul3A_0 = arith.muli %arg1, %mul3A : i32
    %get3A = arith.index_cast %mul3A_0 : i32 to index
    %get3A_1 = memref.load %arg2[%get3A] : memref<16xi32, #tpu.memory_space<smem>>
    %mul3A_2 = arith.constant 256 : i32
    %mul3A_3 = arith.muli %arg1, %mul3A_2 : i32
    %eq3A = arith.constant 0 : i32
    %eq3A_4 = arith.cmpi eq, %get3A_1, %eq3A : i32
    %convert_element_type3A = arith.extui %eq3A_4 : i1 to i32
    %cond3A = arith.constant 0 : i32
    %cond3A_5 = arith.cmpi ne, %convert_element_type3A, %cond3A : i32
    scf.if %cond3A_5 {
      %get3A_10 = arith.index_cast %mul3A_3 : i32 to index
      %get3A_11 = arith.constant 0 : index
      %get3A_12 = vector.load %arg3[%get3A_10, %get3A_11] : memref<2304x2048xf32, #tpu.memory_space<vmem>>, vector<256x2048xf32>
      %get3A_13 = arith.constant 0 : index
      %get3A_14 = arith.constant 0 : index
      %get3A_15 = vector.load %arg4[%get3A_13, %get3A_14] : memref<512x2048xf32, #tpu.memory_space<vmem>>, vector<512x2048xf32>
      %dot_general3A = arith.constant dense<0.000000e+00> : vector<256x512xf32>
      %dot_general3A_16 = tpu.matmul %get3A_12, %get3A_15, %dot_general3A {dimension_numbers = #tpu.dot_dimension_numbers<[1], [1], [0], [0], [0, 0, 1, 0], [], []>, transpose_lhs_hint = false} : vector<256x2048xf32>, vector<512x2048xf32>, vector<256x512xf32> -> vector<256x512xf32>
      %get3A_17 = arith.constant 0 : index
      %get3A_18 = arith.constant 0 : index
      %get3A_19 = vector.load %arg5[%get3A_17, %get3A_18] : memref<512x2048xf32, #tpu.memory_space<vmem>>, vector<512x2048xf32>
      %dot_general3A_20 = arith.constant dense<0.000000e+00> : vector<256x512xf32>
      %dot_general3A_21 = tpu.matmul %get3A_12, %get3A_19, %dot_general3A_20 {dimension_numbers = #tpu.dot_dimension_numbers<[1], [1], [0], [0], [0, 0, 1, 0], [], []>, transpose_lhs_hint = false} : vector<256x2048xf32>, vector<512x2048xf32>, vector<256x512xf32> -> vector<256x512xf32>
      %logistic3A = arith.negf %dot_general3A_16 : vector<256x512xf32>
      %logistic3A_22 = math.exp %logistic3A : vector<256x512xf32>
      %logistic3A_23 = arith.constant 1.000000e+00 : f32
      %logistic3A_24 = vector.broadcast %logistic3A_23 : f32 to vector<256x512xf32>
      %logistic3A_25 = arith.addf %logistic3A_24, %logistic3A_22 : vector<256x512xf32>
      %logistic3A_26 = arith.divf %logistic3A_24, %logistic3A_25 : vector<256x512xf32>
      %mul3A_27 = arith.mulf %dot_general3A_16, %logistic3A_26 : vector<256x512xf32>
      %mul3A_28 = arith.mulf %mul3A_27, %dot_general3A_21 : vector<256x512xf32>
      %convert_element_type3A_29 = arith.truncf %mul3A_28 : vector<256x512xf32> to vector<256x512xbf16>
      %swap3A = arith.constant 0 : index
      %swap3A_30 = arith.constant 0 : index
      %swap3A_31 = vector.load %arg8[%swap3A, %swap3A_30] : memref<256x512xbf16, #tpu.memory_space<vmem>>, vector<256x512xbf16>
      tpu.vector_store %arg8[%swap3A, %swap3A_30], %convert_element_type3A_29 {strides = array<i32>} : memref<256x512xbf16, #tpu.memory_space<vmem>>, vector<256x512xbf16>,
    } else {
    }
    %ne3A = arith.constant 0 : i32
    %ne3A_6 = arith.cmpi ne, %get3A_1, %ne3A : i32
    %convert_element_type3A_7 = arith.extui %ne3A_6 : i1 to i32
    %cond3A_8 = arith.constant 0 : i32
    %cond3A_9 = arith.cmpi ne, %convert_element_type3A_7, %cond3A_8 : i32
    scf.if %cond3A_9 {
      %get3A_10 = arith.index_cast %mul3A_3 : i32 to index
      %get3A_11 = arith.constant 0 : index
      %get3A_12 = vector.load %arg3[%get3A_10, %get3A_11] : memref<2304x2048xf32, #tpu.memory_space<vmem>>, vector<256x2048xf32>
      %get3A_13 = arith.constant 0 : index
      %get3A_14 = arith.constant 0 : index
      %get3A_15 = vector.load %arg6[%get3A_13, %get3A_14] : memref<512x2048xf32, #tpu.memory_space<vmem>>, vector<512x2048xf32>
      %dot_general3A = arith.constant dense<0.000000e+00> : vector<256x512xf32>
      %dot_general3A_16 = tpu.matmul %get3A_12, %get3A_15, %dot_general3A {dimension_numbers = #tpu.dot_dimension_numbers<[1], [1], [0], [0], [0, 0, 1, 0], [], []>, transpose_lhs_hint = false} : vector<256x2048xf32>, vector<512x2048xf32>, vector<256x512xf32> -> vector<256x512xf32>
      %get3A_17 = arith.constant 0 : index
      %get3A_18 = arith.constant 0 : index
      %get3A_19 = vector.load %arg7[%get3A_17, %get3A_18] : memref<512x2048xf32, #tpu.memory_space<vmem>>, vector<512x2048xf32>
      %dot_general3A_20 = arith.constant dense<0.000000e+00> : vector<256x512xf32>
      %dot_general3A_21 = tpu.matmul %get3A_12, %get3A_19, %dot_general3A_20 {dimension_numbers = #tpu.dot_dimension_numbers<[1], [1], [0], [0], [0, 0, 1, 0], [], []>, transpose_lhs_hint = false} : vector<256x2048xf32>, vector<512x2048xf32>, vector<256x512xf32> -> vector<256x512xf32>
      %logistic3A = arith.negf %dot_general3A_16 : vector<256x512xf32>
      %logistic3A_22 = math.exp %logistic3A : vector<256x512xf32>
      %logistic3A_23 = arith.constant 1.000000e+00 : f32
      %logistic3A_24 = vector.broadcast %logistic3A_23 : f32 to vector<256x512xf32>
      %logistic3A_25 = arith.addf %logistic3A_24, %logistic3A_22 : vector<256x512xf32>
      %logistic3A_26 = arith.divf %logistic3A_24, %logistic3A_25 : vector<256x512xf32>
      %mul3A_27 = arith.mulf %dot_general3A_16, %logistic3A_26 : vector<256x512xf32>
      %mul3A_28 = arith.mulf %mul3A_27, %dot_general3A_21 : vector<256x512xf32>
      %convert_element_type3A_29 = arith.truncf %mul3A_28 : vector<256x512xf32> to vector<256x512xbf16>
      %swap3A = arith.constant 0 : index
      %swap3A_30 = arith.constant 0 : index
      %swap3A_31 = vector.load %arg8[%swap3A, %swap3A_30] : memref<256x512xbf16, #tpu.memory_space<vmem>>, vector<256x512xbf16>
      tpu.vector_store %arg8[%swap3A, %swap3A_30], %convert_element_type3A_29 {strides = array<i32>} : memref<256x512xbf16, #tpu.memory_space<vmem>>, vector<256x512xbf16>,
    } else {
    }
    return
  }
  func.func @transform_0(%arg0: i32, %arg1: i32, %arg2: memref<16xi32, #tpu.memory_space<smem>>) -> (i32, i32) {
    %c0_i32 = arith.constant 0 : i32
    %c0_i32_0 = arith.constant 0 : i32
    %c0_i32_1 = arith.constant 0 : i32
    return %c0_i32, %c0_i32_0 : i32, i32
  }
  func.func @transform_1(%arg0: i32, %arg1: i32, %arg2: memref<16xi32, #tpu.memory_space<smem>>) -> (i32, i32) {
    %c0_i32 = arith.constant 0 : i32
    %c0_i32_0 = arith.constant 0 : i32
    return %arg0, %c0_i32 : i32, i32
  }
  func.func @transform_2(%arg0: i32, %arg1: i32, %arg2: memref<16xi32, #tpu.memory_space<smem>>) -> (i32, i32) {
    %c0_i32 = arith.constant 0 : i32
    %c0_i32_0 = arith.constant 0 : i32
    return %arg0, %c0_i32 : i32, i32
  }
  func.func @transform_3(%arg0: i32, %arg1: i32, %arg2: memref<16xi32, #tpu.memory_space<smem>>) -> (i32, i32) {
    %mul3A = arith.constant 1 : i32
    %mul3A_0 = arith.muli %arg1, %mul3A : i32
    %get3A = arith.index_cast %mul3A_0 : i32 to index
    %get3A_1 = memref.load %arg2[%get3A] : memref<16xi32, #tpu.memory_space<smem>>
    %sub3A = arith.constant 1 : i32
    %sub3A_2 = arith.subi %arg0, %sub3A : i32
    %add3A = arith.addi %sub3A_2, %get3A_1 : i32
    %max3A = arith.constant 0 : i32
    %max3A_3 = arith.maxsi %add3A, %max3A : i32
    %c0_i32 = arith.constant 0 : i32
    %c0_i32_4 = arith.constant 0 : i32
    return %max3A_3, %c0_i32 : i32, i32
  }
  func.func @transform_4(%arg0: i32, %arg1: i32, %arg2: memref<16xi32, #tpu.memory_space<smem>>) -> (i32, i32) {
    %mul3A = arith.constant 1 : i32
    %mul3A_0 = arith.muli %arg1, %mul3A : i32
    %get3A = arith.index_cast %mul3A_0 : i32 to index
    %get3A_1 = memref.load %arg2[%get3A] : memref<16xi32, #tpu.memory_space<smem>>
    %sub3A = arith.constant 1 : i32
    %sub3A_2 = arith.subi %arg0, %sub3A : i32
    %add3A = arith.addi %sub3A_2, %get3A_1 : i32
    %max3A = arith.constant 0 : i32
    %max3A_3 = arith.maxsi %add3A, %max3A : i32
    %c0_i32 = arith.constant 0 : i32
    %c0_i32_4 = arith.constant 0 : i32
    return %max3A_3, %c0_i32 : i32, i32
  }
  func.func @transform_5(%arg0: i32, %arg1: i32, %arg2: memref<16xi32, #tpu.memory_space<smem>>) -> (i32, i32) {
    %c0_i32 = arith.constant 0 : i32
    return %arg1, %arg0 : i32, i32
  }
}

module attributes {stable_mosaic.version = 14 : i64} {
  func.func @_ffn_b_body(%arg0: i32, %arg1: memref<16xi32, #tpu.memory_space<smem>>, %arg2: memref<256x5632xbf16, #tpu.memory_space<vmem>>, %arg3: memref<2048x5632xbf16, #tpu.memory_space<vmem>>, %arg4: memref<2048x5632xbf16, #tpu.memory_space<vmem>>, %arg5: memref<256x2048xf32, #tpu.memory_space<vmem>>) attributes {dimension_semantics = [#tpu.dimension_semantics<arbitrary>], iteration_bounds = array<i64: 9>, scalar_prefetch = 1 : i64, scratch_operands = 0 : i64, tpu.core_type = #tpu.core_type<tc>, window_params = [{transform_indices = @transform_0, window_bounds = array<i64: 256, 5632>}, {pipeline_mode = #tpu.pipeline_mode<synchronous>, transform_indices = @transform_1, window_bounds = array<i64: 2048, 5632>}, {pipeline_mode = #tpu.pipeline_mode<synchronous>, transform_indices = @transform_2, window_bounds = array<i64: 2048, 5632>}, {transform_indices = @transform_3, window_bounds = array<i64: 256, 2048>}]} {
    %get3A = arith.index_cast %arg0 : i32 to index
    %get3A_0 = memref.load %arg1[%get3A] : memref<16xi32, #tpu.memory_space<smem>>
    %eq3A = arith.constant 0 : i32
    %eq3A_1 = arith.cmpi eq, %get3A_0, %eq3A : i32
    %convert_element_type3A = arith.extui %eq3A_1 : i1 to i32
    %cond3A = arith.constant 0 : i32
    %cond3A_2 = arith.cmpi ne, %convert_element_type3A, %cond3A : i32
    scf.if %cond3A_2 {
      %get3A_7 = arith.constant 0 : index
      %get3A_8 = arith.constant 0 : index
      %get3A_9 = vector.load %arg2[%get3A_7, %get3A_8] : memref<256x5632xbf16, #tpu.memory_space<vmem>>, vector<256x5632xbf16>
      %get3A_10 = arith.constant 0 : index
      %get3A_11 = arith.constant 0 : index
      %get3A_12 = vector.load %arg3[%get3A_10, %get3A_11] : memref<2048x5632xbf16, #tpu.memory_space<vmem>>, vector<2048x5632xbf16>
      %dot_general3A = arith.constant dense<0.000000e+00> : vector<256x2048xf32>
      %dot_general3A_13 = tpu.matmul %get3A_9, %get3A_12, %dot_general3A {dimension_numbers = #tpu.dot_dimension_numbers<[1], [1], [0], [0], [0, 0, 1, 0], [], []>, transpose_lhs_hint = false} : vector<256x5632xbf16>, vector<2048x5632xbf16>, vector<256x2048xf32> -> vector<256x2048xf32>
      %swap3A = arith.constant 0 : index
      %swap3A_14 = arith.constant 0 : index
      %swap3A_15 = vector.load %arg5[%swap3A, %swap3A_14] : memref<256x2048xf32, #tpu.memory_space<vmem>>, vector<256x2048xf32>
      tpu.vector_store %arg5[%swap3A, %swap3A_14], %dot_general3A_13 {strides = array<i32>} : memref<256x2048xf32, #tpu.memory_space<vmem>>, vector<256x2048xf32>,
    } else {
    }
    %ne3A = arith.constant 0 : i32
    %ne3A_3 = arith.cmpi ne, %get3A_0, %ne3A : i32
    %convert_element_type3A_4 = arith.extui %ne3A_3 : i1 to i32
    %cond3A_5 = arith.constant 0 : i32
    %cond3A_6 = arith.cmpi ne, %convert_element_type3A_4, %cond3A_5 : i32
    scf.if %cond3A_6 {
      %get3A_7 = arith.constant 0 : index
      %get3A_8 = arith.constant 0 : index
      %get3A_9 = vector.load %arg2[%get3A_7, %get3A_8] : memref<256x5632xbf16, #tpu.memory_space<vmem>>, vector<256x5632xbf16>
      %get3A_10 = arith.constant 0 : index
      %get3A_11 = arith.constant 0 : index
      %get3A_12 = vector.load %arg4[%get3A_10, %get3A_11] : memref<2048x5632xbf16, #tpu.memory_space<vmem>>, vector<2048x5632xbf16>
      %dot_general3A = arith.constant dense<0.000000e+00> : vector<256x2048xf32>
      %dot_general3A_13 = tpu.matmul %get3A_9, %get3A_12, %dot_general3A {dimension_numbers = #tpu.dot_dimension_numbers<[1], [1], [0], [0], [0, 0, 1, 0], [], []>, transpose_lhs_hint = false} : vector<256x5632xbf16>, vector<2048x5632xbf16>, vector<256x2048xf32> -> vector<256x2048xf32>
      %swap3A = arith.constant 0 : index
      %swap3A_14 = arith.constant 0 : index
      %swap3A_15 = vector.load %arg5[%swap3A, %swap3A_14] : memref<256x2048xf32, #tpu.memory_space<vmem>>, vector<256x2048xf32>
      tpu.vector_store %arg5[%swap3A, %swap3A_14], %dot_general3A_13 {strides = array<i32>} : memref<256x2048xf32, #tpu.memory_space<vmem>>, vector<256x2048xf32>,
    } else {
    }
    return
  }
  func.func @transform_0(%arg0: i32, %arg1: memref<16xi32, #tpu.memory_space<smem>>) -> (i32, i32) {
    %c0_i32 = arith.constant 0 : i32
    %c0_i32_0 = arith.constant 0 : i32
    return %arg0, %c0_i32 : i32, i32
  }
  func.func @transform_1(%arg0: i32, %arg1: memref<16xi32, #tpu.memory_space<smem>>) -> (i32, i32) {
    %c0_i32 = arith.constant 0 : i32
    %c0_i32_0 = arith.constant 0 : i32
    %c0_i32_1 = arith.constant 0 : i32
    return %c0_i32, %c0_i32_0 : i32, i32
  }
  func.func @transform_2(%arg0: i32, %arg1: memref<16xi32, #tpu.memory_space<smem>>) -> (i32, i32) {
    %c0_i32 = arith.constant 0 : i32
    %c0_i32_0 = arith.constant 0 : i32
    %c0_i32_1 = arith.constant 0 : i32
    return %c0_i32, %c0_i32_0 : i32, i32
  }
  func.func @transform_3(%arg0: i32, %arg1: memref<16xi32, #tpu.memory_space<smem>>) -> (i32, i32) {
    %c0_i32 = arith.constant 0 : i32
    %c0_i32_0 = arith.constant 0 : i32
    return %arg0, %c0_i32 : i32, i32
  }
}

</mosaic_0001>

<sc_bundles>
// kernel: kernel.10.cloned.1.call-start
scs
__scs_entry_jumppad:
0x0: {  	(pc) =	sbr.rel $0x88, $3  }
0x1: {  	(tag) =	ssettag $0x0;
	lr =	simm.s32 $0x1  }
0x2: {  	[smem:$0x3F99] =	sst lr;
	_ =	strace $0xD0000000  }
0x3: {  	_ = 	snop  }
0x4: {  	_ = 	snop  }
0x5: {  	_ = 	snop  }
0x6: {  	_ = 	snop  }
0x7: {  	_ = 	snop  }
__scs_overlays_trampoline_lowered:
0x8: {  	[smem:$0x3FA8] =	sst s0  }
0x9: {  	[smem:$0x3FA9] =	sst s1  }
0xa: {  	[smem:$0x3FAA] =	sst s2  }
0xb: {  	[smem:$0x3FAB] =	sst s3  }
0xc: {  	[smem:$0x3FAC] =	sst s4  }
0xd: {  	[smem:$0x3FAD] =	sst s5  }
0xe: {  	[smem:$0x3FAE] =	sst s6  }
0xf: {  	[smem:$0x3FAF] =	sst s7  }
0x10: {  	[smem:$0x3FB0] =	sst s8  }
0x11: {  	[smem:$0x3FB1] =	sst s9;
	s0 =	simm.s32 @!p0 $0x0  }
0x12: {  	s1 =	sld [smem:$0x3F97];
	s0 =	simm.s32 @p0 $0x1  }
0x13: {  	[smem:$0x3FB2] =	sst s0;
	s0 =	simm.s32 @!p1 $0x0  }
0x14: {  	s2 =	sld [smem:$0x3F96];
	s0 =	simm.s32 @p1 $0x1  }
0x15: {  	[smem:$0x3FB3] =	sst s0;
	s0 =	simm.s32 @!p2 $0x0  }
0x16: {  	s3 =	sld [smem:$0x3FDB];
	s0 =	simm.s32 @p2 $0x1  }
0x17: {  	s4 =	simm.s32 $0x1BF5;
	[smem:$0x3FB5] =	sst s0  }
0x18: {  	s0 =	sld [smem:$0x3F98];
	_ =	swait.ge [sflag:s4], $0x0  }
0x19: {  	s7 =	sld [smem:$0x3F99]  }
0x1a: {  	s8 =	sadd.s32 $0xFFFFE003, lr  }
0x1b: {  	s9 =	sadd.s32 $0xFFFFFEF7, lr;
	s5 =	simm.s32 $0xFFFFFFFF;
	p2 =	slt.u32 s8, $0xFFFFF086  }
0x1c: {  	p1 =	slt.u32 s9, $0xF7A;
	s5 =	simm.s32 @!p2 $0x0  }
0x1d: {  	s5 =	simm.s32 @p1 $0x1;
	p0 =	seq.s32 s7, s2  }
0x1e: {  	s7 =	smul.u32 @!p0 $0xF7A, s2;
	p2 =	seq.s32 @!p0 s5, $0x0  }
0x1f: {  	s9 =	smul.u32 $0xF7A, s1;
	s8 =	simm.s32 @!p0 $0x1BF5;
	p2 =	por !p2, p0  }
0x20: {  	[sflag:s8] =	ssyncset.s32 @!p0 $0xFFFFF086;
	s6 =	sadd.s32 @!p0 s3, s7;
	s7 =	simm.s32 @!p0 $0x108  }
0x21: {  	s3 =	sadd.s32 s3, s9;
	s6 =	sadd.s32 @!p0 $0x88, s6;
	s7 =	simm.s32 @p2 $0x1082  }
0x22: {  	[simem:s7], [sflag:s8] =	dma.local @!p0 [hbm:s6], $0xF7A  }
0x23: {  	s9 =	sor.u32 $0xD0000000, s2;
	s6 =	simm.s32 $0x108;
	_ =	swait.ge @!p0 [sflag:s8], $0x0  }
0x24: {  	s3 =	sadd.s32 $0x88, s3;
	s6 =	simm.s32 @!p1 $0x1082;
	[sflag:s4] =	ssyncset.s32 $0xFFFFF086  }
0x25: {  	[simem:s6], [sflag:s4] =	dma.local [hbm:s3], $0xF7A  }
0x26: {  	[smem:$0x3F99] =	sst s1;
	(tag) =	ssettag s2;
	_ =	strace s9  }
0x27: {  	s1 =	sld [smem:$0x3FA9]  }
0x28: {  	s2 =	sld [smem:$0x3FAA]  }
0x29: {  	s4 =	sld [smem:$0x3FAC]  }
0x2a: {  	p0 =	seq.s32 s5, $0x0;
	s5 =	sld [smem:$0x3FAD]  }
0x2b: {  	s6 =	sld [smem:$0x3FAE]  }
0x2c: {  	s7 =	sld [smem:$0x3FAF]  }
0x2d: {  	s3 =	simm.s32 $0x108;
	s8 =	sld [smem:$0x3FB0]  }
0x2e: {  	s3 =	simm.s32 @!p0 $0x1082;
	s9 =	sld [smem:$0x3FB1]  }
0x2f: {  	lr =	sadd.s32 s0, s3;
	s0 =	sld [smem:$0x3FA8]  }
0x30: {  	s3 =	sld [smem:$0x3FAB]  }
0x31: {  	[smem:$0x3FB4] =	sst s10  }
0x32: {  	s10 =	sld [smem:$0x3FB2];
	_ =	sdelay $0x3  }
0x33: {  	p0 =	seq.s32 s10, $0x1;
	s10 =	sld [smem:$0x3FB4];
	_ =	sdelay $0x3  }
0x34: {  	[smem:$0x3FB4] =	sst s10  }
0x35: {  	s10 =	sld [smem:$0x3FB3];
	_ =	sdelay $0x3  }
0x36: {  	p1 =	seq.s32 s10, $0x1;
	s10 =	sld [smem:$0x3FB4];
	_ =	sdelay $0x3  }
0x37: {  	[smem:$0x3FB4] =	sst s10  }
0x38: {  	s10 =	sld [smem:$0x3FB5]  }
0x39: {  	_ = 	snop;
	(pc) =	sbr.ind lr, $3  }
0x3a: {  	_ = 	snop  }
0x3b: {  	_ = 	snop  }
0x3c: {  	p2 =	seq.s32 s10, $0x1;
	s10 =	sld [smem:$0x3FB4]  }
0x3d: {  	_ =	shalt  }
0x3e: {  	_ =	shalt  }
0x3f: {  	_ =	shalt  }
0x40: {  	_ =	shalt  }
0x41: {  	_ =	shalt  }
0x42: {  	_ =	shalt  }
0x43: {  	_ =	shalt  }
0x44: {  	_ =	shalt  }
0x45: {  	_ =	shalt  }
0x46: {  	_ =	shalt  }
0x47: {  	_ =	shalt  }
0x48: {  	_ =	shalt  }
0x49: {  	_ =	shalt  }
0x4a: {  	_ =	shalt  }
0x4b: {  	_ =	shalt  }
0x4c: {  	_ =	shalt  }
0x4d: {  	_ =	shalt  }
0x4e: {  	_ =	shalt  }
0x4f: {  	_ =	shalt  }
0x50: {  	_ =	shalt  }
0x51: {  	_ =	shalt  }
0x52: {  	_ =	shalt  }
0x53: {  	_ =	shalt  }
0x54: {  	_ =	shalt  }
0x55: {  	_ =	shalt  }
0x56: {  	_ =	shalt  }
0x57: {  	_ =	shalt  }
0x58: {  	_ =	shalt  }
0x59: {  	_ =	shalt  }
0x5a: {  	_ =	shalt  }
0x5b: {  	_ =	shalt  }
0x5c: {  	_ =	shalt  }
0x5d: {  	_ =	shalt  }
0x5e: {  	_ =	shalt  }
0x5f: {  	_ =	shalt  }
0x60: {  	_ =	shalt  }
0x61: {  	_ =	shalt  }
0x62: {  	_ =	shalt  }
0x63: {  	_ =	shalt  }
0x64: {  	_ =	shalt  }
0x65: {  	_ =	shalt  }
0x66: {  	_ =	shalt  }
0x67: {  	_ =	shalt  }
0x68: {  	_ =	shalt  }
0x69: {  	_ =	shalt  }
0x6a: {  	_ =	shalt  }
0x6b: {  	_ =	shalt  }
0x6c: {  	_ =	shalt  }
0x6d: {  	_ =	shalt  }
0x6e: {  	_ =	shalt  }
0x6f: {  	_ =	shalt  }
0x70: {  	_ =	shalt  }
0x71: {  	_ =	shalt  }
0x72: {  	_ =	shalt  }
0x73: {  	_ =	shalt  }
0x74: {  	_ =	shalt  }
0x75: {  	_ =	shalt  }
0x76: {  	_ =	shalt  }
0x77: {  	_ =	shalt  }
0x78: {  	_ =	shalt  }
0x79: {  	_ =	shalt  }
0x7a: {  	_ =	shalt  }
0x7b: {  	_ =	shalt  }
0x7c: {  	_ =	shalt  }
0x7d: {  	_ =	shalt  }
0x7e: {  	_ =	shalt  }
0x7f: {  	_ =	shalt  }
0x80: {  	_ =	shalt  }
0x81: {  	_ =	shalt  }
0x82: {  	_ =	shalt  }
0x83: {  	_ =	shalt  }
0x84: {  	_ =	shalt  }
0x85: {  	_ =	shalt  }
0x86: {  	_ =	shalt  }
0x87: {  	_ =	shalt  }
.Lfunc_end0:
.L_simem_size_0:
called_computation.1_lowered:
.L_overlay_start_0:
0x88: {  	s2 =	sld [smem:$0x3FD9]  }
0x89: {  	s3 =	sld [smem:$0x3FFE];
	_ =	sdelay $0x1  }
0x8a: {  	s1 =	srdreg.scid  }
0x8b: {  	s0 =	sand.u32 $0x1, s1  }
0x8c: {  	s17 =	sshll.u32 s0, $0xA;
	s2 =	sadd.s32 s3, s2  }
0x8d: {  	s2 =	sadd.s32 s2, s17  }
0x8e: {  	[smem:$0x3FC0] =	sst s2  }
0x8f: {  	_ = 	snop  }
0x90: {  	s2 =	sld [smem:$0x3FC9];
	(tm) =	ssettm $0x1  }
0x91: {  	s18 =	sld [smem:$0x3FFB];
	_ =	sdelay $0x3  }
0x92: {  	_ =	strace s18  }
0x93: {  	s3 =	sld [smem:$0x3FFC];
	_ =	sdelay $0x3  }
0x94: {  	_ =	strace s3  }
0x95: {  	s3 =	sld [smem:$0x3FFD];
	_ =	sdelay $0x3  }
0x96: {  	_ =	strace s3  }
0x97: {  	_ =	strace $0x8FFFFFFF  }
0x98: {  	s19 =	sld [smem:$0x3FDB];
	_ =	sdelay $0x1  }
0x99: {  	s4 =	simm.s32 $_scs_section_size  }
0x9a: {  	s5 =	simm.s32 $_size__tile_overlayer_lowered;
	s6 =	simm.s32 $_tile_overlayer_lowered  }
0x9b: {  	s22 =	simm.s32 $0x1BFF;
	s21 =	sshll.u32 s6, $0x1;
	s3 =	sadd.s32 s4, s19  }
0x9c: {  	s7 =	simm.s32 $0x0;
	s20 =	sshll.u32 s5, $0x1;
	s5 =	sadd.s32 s21, s3  }
0x9d: {  	[timem:s7], [sflag:s22] =	dma.local [hbm:s5], s20  }
0x9e: {  	_ =	swait.ge [sflag:s22], s20  }
0x9f: {  	s4 =	ssub.s32 $0x0, s20;
	[sflag:s22] =	ssyncset.done $0x0  }
0xa0: {  	[sflag:s22] =	ssyncadd.s32 s4;
	_ =	sdelay $0x1  }
0xa1: {  	s23 =	simm.s32 $0x1B8B  }
0xa2: {  	_ =	swait.ge [sflag:s23], $0x1  }
0xa3: {  	[sflag:s23] =	ssyncset.done $0x0  }
0xa4: {  	s25 =	simm.s32 $0x1B8E;
	s24 =	sld [smem:$0x3FFE];
	[sflag:s23] =	ssyncadd.s32 $0xFFFFFFFF  }
0xa5: {  	s26 =	simm.s32 $execute0_lowered;
	[smem:$0x3FD2] =	sst s25  }
0xa6: {  	s5 =	sshll.u32 s26, $0x1;
	_ =	strace $0x80000049;
	[dreg:$0x1] =	wrdreg $0xFFFFFFFF  }
0xa7: {  	s28 =	simm.s32 $_size_execute0_lowered;
	s3 =	sadd.s32 s3, s5;
	[dreg:$0x0] =	wrdreg $0x0  }
0xa8: {  	s5 =	sshll.u32 s28, $0x1;
	[dreg:$0x2] =	wrdreg s3  }
0xa9: {  	[dreg:$0x3] =	wrdreg s5  }
0xaa: {  	[dreg:$0x4] =	wrdreg $0xC0  }
0xab: {  	_ =	task [dreg:s7], $0x5FFFF  }
0xac: {  	[dreg:$0x1] =	wrdreg $0xFFFFFFFF  }
0xad: {  	[dreg:$0x0] =	wrdreg $0x60  }
0xae: {  	[dreg:$0x2] =	wrdreg s2  }
0xaf: {  	[dreg:$0x3] =	wrdreg s24  }
0xb0: {  	[dreg:$0x4] =	wrdreg $0x9  }
0xb1: {  	_ =	task.clear_ibuf [dreg:s7], $0x5FFFF;
	_ =	strace $0x90000049  }
0xb2: {  	s29 =	simm.s32 $0x9;
	_ =	strace $0x8000004B  }
0xb3: {  	_ =	swait.ge [sflag:s29], $0x1  }
0xb4: {  	[sflag:s29] =	ssyncadd.s32 $0xFFFFFFFF  }
0xb5: {  	_ =	strace $0x9000004B  }
0xb6: {  	_ =	sfence  }
0xb7: {  	s30 =	sld [smem:$0x0];
	_ =	sdelay $0x2  }
0xb8: {  	s31 =	sshll.u32 s1, $0xD;
	s1 =	sshrl.u32 s1, $0x2  }
0xb9: {  	s3 =	sand.u32 $0x4000, s31;
	s1 =	sadd.s32 s1, s30  }
0xba: {  	s0 =	sor.u32 s3, s0;
	s1 =	sshll.u32 s1, $0x11  }
0xbb: {  	s0 =	sor.u32 s1, s0  }
0xbc: {  	s0 =	sadd.s32 $0x8F2B, s0  }
0xbd: {  	[sflag:s0] =	ssyncadd.remote.s32 $0x1  }
0xbe: {  	_ =	sfence.sel $0xFFFF  }
0xbf: {  	[dreg:$0x0] =	wrdreg $0xFFFFFFFF;
	(pc) =	sbr.abs _section_cstart, $3  }
0xc0: {  	[dreg:$0x1] =	wrdreg $0xFFFFFFFF  }
0xc1: {  	_ =	task.clear_ibuf [dreg:s7], $0x2FFFF;
	_ =	strace $0x9FFFFFFF  }
0xc2: {  	(tm) =	ssettm $0x7FFFFFFF  }
0xc3: {  	_ =	shalt  }
tec
execute0_lowered:
.L_overlay_start_1:
0x0: {  	(tag) =	ssettag $0x1  }
0x1: {  	s2 =	rddreg [dreg:$0x0]  }
0x2: {  	s4 =	rddreg [dreg:$0x1];
	s3 =	simm.s32 $0x0  }
0x3: {  	s26 =	simm.s32 $0xC880;
	[smem:$0x7FF] =	sst s3  }
0x4: {  	s7 =	simm.s32 $0xE080;
	_ =	strace $0x8000004A;
	[dreg:$0x7] =	wrdreg s26  }
0x5: {  	s8 =	simm.s32 $0xE880;
	[dreg:$0xa] =	wrdreg s7  }
0x6: {  	s9 =	simm.s32 $0xF080;
	[dreg:$0xb] =	wrdreg s8  }
0x7: {  	s0 =	srdreg.scid;
	s10 =	simm.s32 $0xF880;
	[dreg:$0xc] =	wrdreg s9  }
0x8: {  	s1 =	stileid.u32;
	s11 =	simm.s32 $0x10080;
	[dreg:$0xd] =	wrdreg s10  }
0x9: {  	s12 =	simm.s32 $0x10880;
	s13 =	simm.s32 $0x11080;
	[dreg:$0xe] =	wrdreg s11  }
0xa: {  	s14 =	simm.s32 $0x11880;
	s15 =	simm.s32 $0x12080;
	[dreg:$0xf] =	wrdreg s12  }
0xb: {  	s16 =	simm.s32 $0x12880;
	s17 =	simm.s32 $0x13080;
	[dreg:$0x10] =	wrdreg s13  }
0xc: {  	s18 =	simm.s32 $0x13880;
	s19 =	simm.s32 $0x14080;
	[dreg:$0x11] =	wrdreg s14  }
0xd: {  	s20 =	simm.s32 $0x14880;
	s21 =	simm.s32 $0x15080;
	[dreg:$0x12] =	wrdreg s15  }
0xe: {  	s22 =	simm.s32 $0x15880;
	s23 =	simm.s32 $0x16080;
	[dreg:$0x13] =	wrdreg s16  }
0xf: {  	s28 =	simm.s32 $0x2880;
	s29 =	simm.s32 $0x3080;
	[dreg:$0x14] =	wrdreg s17  }
0x10: {  	s30 =	simm.s32 $0x3880;
	s31 =	simm.s32 $0x4080;
	[dreg:$0x15] =	wrdreg s18  }
0x11: {  	s0 =	sand.u32 $0x1, s0;
	s1 =	sshll.u32 s1, $0x1;
	[dreg:$0x16] =	wrdreg s19  }
0x12: {  	s1 =	sor.u32 s0, s1;
	s0 =	ssub.s32 $0x2, s0;
	[dreg:$0x17] =	wrdreg s20  }
0x13: {  	s7 =	sadd.s32 $0x400, s2;
	s8 =	sadd.s32 $0x500, s2;
	[dreg:$0x18] =	wrdreg s21  }
0x14: {  	s9 =	sadd.s32 $0x600, s2;
	s10 =	sadd.s32 $0x700, s2;
	[dreg:$0x19] =	wrdreg s22  }
0x15: {  	s12 =	simm.s32 $0x3;
	[dreg:$0x1a] =	wrdreg s23;
	s26 =	simm.s32 $0x17880  }
0x16: {  	s19 =	simm.s32 $0x1;
	s23 =	simm.s32 $0x880;
	s14 =	simm.s32 $0x5880  }
0x17: {  	s15 =	simm.s32 $0x6080;
	s16 =	simm.s32 $0x6880;
	s5 =	smul.u32 $0x9, s1  }
0x18: {  	s17 =	simm.s32 $0x7080;
	s18 =	simm.s32 $0x7880;
	s6 =	smul.u32 $0x24000, s1  }
0x19: {  	s20 =	simm.s32 $0x8080;
	s1 =	smul.u32 $0x4800, s1;
	s5 =	sadd.s32 s5, s4  }
0x1a: {  	[dreg:$0x1d] =	wrdreg s26;
	s4 =	sadd.s32 $0x1800, s4;
	s5 =	sadd.s32 $0x1400, s5  }
0x1b: {  	s6 =	sshrl.u32 s6, $0x3;
	s1 =	sadd.s32 s4, s1;
	[dreg:$0x3] =	wrdreg s5  }
0x1c: {  	s4 =	sadd.s32 s4, s6;
	s6 =	simm.s32 $0xD880;
	[dreg:$0x4] =	wrdreg s1  }
0x1d: {  	s26 =	simm.s32 $0x2080;
	s24 =	sadd.s32 $0x1800, s4;
	[dreg:$0x9] =	wrdreg s6  }
0x1e: {  	s25 =	sadd.s32 $0x3000, s4;
	s4 =	simm.s32 $0xD080;
	[dreg:$0x5] =	wrdreg s24  }
0x1f: {  	s5 =	sshrl.u32 s0, $0x1;
	s6 =	sadd.s32 $0x300, s2;
	[dreg:$0x6] =	wrdreg s25  }
0x20: {  	[dreg:$0x8] =	wrdreg s4;
	s0 =	ssub.s32 s0, s5;
	s24 =	simm.s32 $0x16880  }
0x21: {  	v2 =	vlaneseq.u32;
	s4 =	sadd.s32 $0x100, s2;
	s25 =	simm.s32 $0x17080;
	[dreg:$0x1b] =	wrdreg s24  }
0x22: {  	vm0 =	vmmov $0xffff;
	v1 =	vshrl.u32 v2, $0x3;
	s5 =	sadd.s32 $0x200, s2;
	s11 =	smax.u32 s0, $0x1;
	[dreg:$0x1c] =	wrdreg s25  }
0x23: {  	v0 =	vand.u32 $0x7, v2;
	v2 =	vor.u32 $0x8, v2;
	v1 =	vmul.u32 $0x8, v1;
	s0 =	simm.s32 $0x80;
	s24 =	simm.s32 $0x1080;
	s25 =	simm.s32 $0x1880  }
.LBB2_1:
0x24: {  	s21 =	rddreg [dreg:$0x3]  }
0x25: {  	[tilespmem:s3], [sflag:$0x3] =	stream.linear.gather [hbm4b:s21+s3], $0x48, $0x38;
	[tilespmem:$0x18080] =	vst v63  }
0x26: {  	_ =	swait.ge [sflag:s12], $0x48  }
0x27: {  	[sflag:s12] =	ssyncset.done $0x0  }
0x28: {  	[sflag:s12] =	ssyncadd.s32 $0xFFFFFFB8  }
0x29: {  	v3 =	vld [tilespmem:$0x0];
	_ =	sdelay $0x4  }
0x2a: {  	v4 =	vshll.u32 v3, $0x4  }
0x2b: {  	v3 =	vand.u32 $0x7, v3;
	v4 =	vand.u32 $0xFFFFFF80, v4  }
0x2c: {  	v3 =	vor.u32 v3, v4  }
0x2d: {  	v4 =	vperm.xlane v3, v0;
	_ =	sdelay $0x1  }
0x2e: {  	v4 =	vadd.s32 v1, v4;
	_ =	sdelay $0x4  }
0x2f: {  	[tilespmem:s0], [sflag:$0x1] =	stream.indirect_vreg.gather [hbm4b:s2+s3], $0x80, v4, vm0, $0xb8;
	[tilespmem:$0x18080] =	vst v63  }
0x30: {  	_ = 	snop  }
0x31: {  	[tilespmem:s23], [sflag:$0x1] =	stream.indirect_vreg.gather [hbm4b:s4+s3], $0x80, v4, vm0, $0xb8;
	[tilespmem:$0x18080] =	vst v63  }
0x32: {  	_ = 	snop  }
0x33: {  	[tilespmem:s24], [sflag:$0x1] =	stream.indirect_vreg.gather [hbm4b:s5+s3], $0x80, v4, vm0, $0xb8;
	[tilespmem:$0x18080] =	vst v63  }
0x34: {  	_ = 	snop  }
0x35: {  	[tilespmem:s25], [sflag:$0x1] =	stream.indirect_vreg.gather [hbm4b:s6+s3], $0x80, v4, vm0, $0xb8;
	[tilespmem:$0x18080] =	vst v63  }
0x36: {  	_ = 	snop  }
0x37: {  	[tilespmem:s26], [sflag:$0x1] =	stream.indirect_vreg.gather [hbm4b:s7+s3], $0x80, v4, vm0, $0xb8;
	[tilespmem:$0x18080] =	vst v63  }
0x38: {  	v3 =	vperm.xlane v3, v2  }
0x39: {  	[tilespmem:s28], [sflag:$0x1] =	stream.indirect_vreg.gather [hbm4b:s8+s3], $0x80, v4, vm0, $0xb8;
	[tilespmem:$0x18080] =	vst v63  }
0x3a: {  	v3 =	vadd.s32 v1, v3  }
0x3b: {  	[tilespmem:s29], [sflag:$0x1] =	stream.indirect_vreg.gather [hbm4b:s9+s3], $0x80, v4, vm0, $0xb8;
	[tilespmem:$0x18080] =	vst v63  }
0x3c: {  	_ = 	snop  }
0x3d: {  	[tilespmem:s30], [sflag:$0x1] =	stream.indirect_vreg.gather [hbm4b:s10+s3], $0x80, v4, vm0, $0xb8;
	[tilespmem:$0x18080] =	vst v63  }
0x3e: {  	_ = 	snop  }
0x3f: {  	[tilespmem:s31], [sflag:$0x1] =	stream.indirect_vreg.gather [hbm4b:s2+s3], $0x80, v3, vm0, $0xb8;
	[tilespmem:$0x18080] =	vst v63  }
0x40: {  	s1 =	simm.s32 $0x4880  }
0x41: {  	[tilespmem:s1], [sflag:$0x1] =	stream.indirect_vreg.gather [hbm4b:s4+s3], $0x80, v3, vm0, $0xb8;
	[tilespmem:$0x18080] =	vst v63  }
0x42: {  	s21 =	simm.s32 $0x5080  }
0x43: {  	[tilespmem:s21], [sflag:$0x1] =	stream.indirect_vreg.gather [hbm4b:s5+s3], $0x80, v3, vm0, $0xb8;
	[tilespmem:$0x18080] =	vst v63  }
0x44: {  	_ = 	snop  }
0x45: {  	[tilespmem:s14], [sflag:$0x1] =	stream.indirect_vreg.gather [hbm4b:s6+s3], $0x80, v3, vm0, $0xb8;
	[tilespmem:$0x18080] =	vst v63  }
0x46: {  	_ = 	snop  }
0x47: {  	[tilespmem:s15], [sflag:$0x1] =	stream.indirect_vreg.gather [hbm4b:s7+s3], $0x80, v3, vm0, $0xb8;
	[tilespmem:$0x18080] =	vst v63  }
0x48: {  	_ = 	snop  }
0x49: {  	[tilespmem:s16], [sflag:$0x1] =	stream.indirect_vreg.gather [hbm4b:s8+s3], $0x80, v3, vm0, $0xb8;
	[tilespmem:$0x18080] =	vst v63  }
0x4a: {  	_ = 	snop  }
0x4b: {  	[tilespmem:s17], [sflag:$0x1] =	stream.indirect_vreg.gather [hbm4b:s9+s3], $0x80, v3, vm0, $0xb8;
	[tilespmem:$0x18080] =	vst v63  }
0x4c: {  	_ = 	snop  }
0x4d: {  	[tilespmem:s18], [sflag:$0x1] =	stream.indirect_vreg.gather [hbm4b:s10+s3], $0x80, v3, vm0, $0xb8;
	[tilespmem:$0x18080] =	vst v63  }
0x4e: {  	v3 =	vld.msk [tilespmem:$0x10], $0xff;
	_ =	sdelay $0x4  }
0x4f: {  	v59 =	vshll.u32 v3, $0x4  }
0x50: {  	v3 =	vand.u32 $0x7, v3;
	v4 =	vand.u32 $0xFFFFFF80, v59  }
0x51: {  	v3 =	vor.u32 v3, v4  }
0x52: {  	v3 =	vperm.xlane v3, v0;
	_ =	sdelay $0x1  }
0x53: {  	v3 =	vadd.s32 v1, v3;
	_ =	sdelay $0x4  }
0x54: {  	[tilespmem:s20], [sflag:$0x1] =	stream.indirect_vreg.gather [hbm4b:s2+s3], $0x80, v3, vm0, $0xb8;
	[tilespmem:$0x18080] =	vst v63  }
0x55: {  	s13 =	simm.s32 $0x8880  }
0x56: {  	[tilespmem:s13], [sflag:$0x1] =	stream.indirect_vreg.gather [hbm4b:s4+s3], $0x80, v3, vm0, $0xb8;
	[tilespmem:$0x18080] =	vst v63  }
0x57: {  	s22 =	simm.s32 $0x9080  }
0x58: {  	[tilespmem:s22], [sflag:$0x1] =	stream.indirect_vreg.gather [hbm4b:s5+s3], $0x80, v3, vm0, $0xb8;
	[tilespmem:$0x18080] =	vst v63  }
0x59: {  	s21 =	simm.s32 $0x9880  }
0x5a: {  	[tilespmem:s21], [sflag:$0x1] =	stream.indirect_vreg.gather [hbm4b:s6+s3], $0x80, v3, vm0, $0xb8;
	[tilespmem:$0x18080] =	vst v63  }
0x5b: {  	s22 =	simm.s32 $0xA080  }
0x5c: {  	[tilespmem:s22], [sflag:$0x1] =	stream.indirect_vreg.gather [hbm4b:s7+s3], $0x80, v3, vm0, $0xb8;
	[tilespmem:$0x18080] =	vst v63  }
0x5d: {  	s21 =	simm.s32 $0xA880  }
0x5e: {  	[tilespmem:s21], [sflag:$0x1] =	stream.indirect_vreg.gather [hbm4b:s8+s3], $0x80, v3, vm0, $0xb8;
	[tilespmem:$0x18080] =	vst v63  }
0x5f: {  	s22 =	simm.s32 $0xB080  }
0x60: {  	[tilespmem:s22], [sflag:$0x1] =	stream.indirect_vreg.gather [hbm4b:s9+s3], $0x80, v3, vm0, $0xb8;
	[tilespmem:$0x18080] =	vst v63  }
0x61: {  	s21 =	simm.s32 $0xB880  }
0x62: {  	[tilespmem:s21], [sflag:$0x1] =	stream.indirect_vreg.gather [hbm4b:s10+s3], $0x80, v3, vm0, $0xb8;
	[tilespmem:$0x18080] =	vst v63  }
0x63: {  	v3 =	vld [tilespmem:$0x18];
	_ =	sdelay $0x4  }
0x64: {  	v60 =	vshll.u32 v3, $0x4  }
0x65: {  	v3 =	vand.u32 $0x7, v3;
	v4 =	vand.u32 $0xFFFFFF80, v60  }
0x66: {  	v3 =	vor.u32 v3, v4  }
0x67: {  	v4 =	vperm.xlane v3, v0;
	_ =	sdelay $0x1  }
0x68: {  	v4 =	vadd.s32 v1, v4;
	_ =	sdelay $0x3  }
0x69: {  	s1 =	simm.s32 $0xC080  }
0x6a: {  	[tilespmem:s1], [sflag:$0x2] =	stream.indirect_vreg.gather [hbm4b:s2+s3], $0x80, v4, vm0, $0xb8;
	[tilespmem:$0x18080] =	vst v63  }
0x6b: {  	s21 =	rddreg [dreg:$0x7]  }
0x6c: {  	[tilespmem:s21], [sflag:$0x2] =	stream.indirect_vreg.gather [hbm4b:s4+s3], $0x80, v4, vm0, $0xb8;
	[tilespmem:$0x18080] =	vst v63  }
0x6d: {  	s22 =	rddreg [dreg:$0x8]  }
0x6e: {  	[tilespmem:s22], [sflag:$0x2] =	stream.indirect_vreg.gather [hbm4b:s5+s3], $0x80, v4, vm0, $0xb8;
	[tilespmem:$0x18080] =	vst v63  }
0x6f: {  	s21 =	rddreg [dreg:$0x9]  }
0x70: {  	[tilespmem:s21], [sflag:$0x2] =	stream.indirect_vreg.gather [hbm4b:s6+s3], $0x80, v4, vm0, $0xb8;
	[tilespmem:$0x18080] =	vst v63  }
0x71: {  	s22 =	rddreg [dreg:$0xa]  }
0x72: {  	[tilespmem:s22], [sflag:$0x2] =	stream.indirect_vreg.gather [hbm4b:s7+s3], $0x80, v4, vm0, $0xb8;
	[tilespmem:$0x18080] =	vst v63  }
0x73: {  	v3 =	vperm.xlane v3, v2;
	s21 =	rddreg [dreg:$0xb]  }
0x74: {  	[tilespmem:s21], [sflag:$0x2] =	stream.indirect_vreg.gather [hbm4b:s8+s3], $0x80, v4, vm0, $0xb8;
	[tilespmem:$0x18080] =	vst v63  }
0x75: {  	v3 =	vadd.s32 v1, v3;
	s22 =	rddreg [dreg:$0xc]  }
0x76: {  	[tilespmem:s22], [sflag:$0x2] =	stream.indirect_vreg.gather [hbm4b:s9+s3], $0x80, v4, vm0, $0xb8;
	[tilespmem:$0x18080] =	vst v63  }
0x77: {  	s21 =	rddreg [dreg:$0xd]  }
0x78: {  	[tilespmem:s21], [sflag:$0x2] =	stream.indirect_vreg.gather [hbm4b:s10+s3], $0x80, v4, vm0, $0xb8;
	[tilespmem:$0x18080] =	vst v63  }
0x79: {  	s22 =	rddreg [dreg:$0xe]  }
0x7a: {  	[tilespmem:s22], [sflag:$0x2] =	stream.indirect_vreg.gather [hbm4b:s2+s3], $0x80, v3, vm0, $0xb8;
	[tilespmem:$0x18080] =	vst v63  }
0x7b: {  	s21 =	rddreg [dreg:$0xf]  }
0x7c: {  	[tilespmem:s21], [sflag:$0x2] =	stream.indirect_vreg.gather [hbm4b:s4+s3], $0x80, v3, vm0, $0xb8;
	[tilespmem:$0x18080] =	vst v63  }
0x7d: {  	s22 =	rddreg [dreg:$0x10]  }
0x7e: {  	[tilespmem:s22], [sflag:$0x2] =	stream.indirect_vreg.gather [hbm4b:s5+s3], $0x80, v3, vm0, $0xb8;
	[tilespmem:$0x18080] =	vst v63  }
0x7f: {  	s21 =	rddreg [dreg:$0x11]  }
0x80: {  	[tilespmem:s21], [sflag:$0x2] =	stream.indirect_vreg.gather [hbm4b:s6+s3], $0x80, v3, vm0, $0xb8;
	[tilespmem:$0x18080] =	vst v63  }
0x81: {  	s22 =	rddreg [dreg:$0x12]  }
0x82: {  	[tilespmem:s22], [sflag:$0x2] =	stream.indirect_vreg.gather [hbm4b:s7+s3], $0x80, v3, vm0, $0xb8;
	[tilespmem:$0x18080] =	vst v63  }
0x83: {  	s21 =	rddreg [dreg:$0x13]  }
0x84: {  	[tilespmem:s21], [sflag:$0x2] =	stream.indirect_vreg.gather [hbm4b:s8+s3], $0x80, v3, vm0, $0xb8;
	[tilespmem:$0x18080] =	vst v63  }
0x85: {  	s22 =	rddreg [dreg:$0x14]  }
0x86: {  	[tilespmem:s22], [sflag:$0x2] =	stream.indirect_vreg.gather [hbm4b:s9+s3], $0x80, v3, vm0, $0xb8;
	[tilespmem:$0x18080] =	vst v63  }
0x87: {  	s21 =	rddreg [dreg:$0x15]  }
0x88: {  	[tilespmem:s21], [sflag:$0x2] =	stream.indirect_vreg.gather [hbm4b:s10+s3], $0x80, v3, vm0, $0xb8;
	[tilespmem:$0x18080] =	vst v63  }
0x89: {  	v3 =	vld.msk [tilespmem:$0x28], $0xff;
	_ =	sdelay $0x4  }
0x8a: {  	v61 =	vshll.u32 v3, $0x4  }
0x8b: {  	v3 =	vand.u32 $0x7, v3;
	v4 =	vand.u32 $0xFFFFFF80, v61  }
0x8c: {  	v3 =	vor.u32 v3, v4  }
0x8d: {  	v3 =	vperm.xlane v3, v0;
	_ =	sdelay $0x1  }
0x8e: {  	v3 =	vadd.s32 v1, v3;
	_ =	sdelay $0x3  }
0x8f: {  	s21 =	rddreg [dreg:$0x16]  }
0x90: {  	[tilespmem:s21], [sflag:$0x2] =	stream.indirect_vreg.gather [hbm4b:s2+s3], $0x80, v3, vm0, $0xb8;
	[tilespmem:$0x18080] =	vst v63  }
0x91: {  	s22 =	rddreg [dreg:$0x17]  }
0x92: {  	[tilespmem:s22], [sflag:$0x2] =	stream.indirect_vreg.gather [hbm4b:s4+s3], $0x80, v3, vm0, $0xb8;
	[tilespmem:$0x18080] =	vst v63  }
0x93: {  	s21 =	rddreg [dreg:$0x18]  }
0x94: {  	[tilespmem:s21], [sflag:$0x2] =	stream.indirect_vreg.gather [hbm4b:s5+s3], $0x80, v3, vm0, $0xb8;
	[tilespmem:$0x18080] =	vst v63  }
0x95: {  	s22 =	rddreg [dreg:$0x19]  }
0x96: {  	[tilespmem:s22], [sflag:$0x2] =	stream.indirect_vreg.gather [hbm4b:s6+s3], $0x80, v3, vm0, $0xb8;
	[tilespmem:$0x18080] =	vst v63  }
0x97: {  	s21 =	rddreg [dreg:$0x1a]  }
0x98: {  	[tilespmem:s21], [sflag:$0x2] =	stream.indirect_vreg.gather [hbm4b:s7+s3], $0x80, v3, vm0, $0xb8;
	[tilespmem:$0x18080] =	vst v63  }
0x99: {  	s22 =	rddreg [dreg:$0x1b]  }
0x9a: {  	[tilespmem:s22], [sflag:$0x2] =	stream.indirect_vreg.gather [hbm4b:s8+s3], $0x80, v3, vm0, $0xb8;
	[tilespmem:$0x18080] =	vst v63  }
0x9b: {  	s21 =	rddreg [dreg:$0x1c]  }
0x9c: {  	[tilespmem:s21], [sflag:$0x2] =	stream.indirect_vreg.gather [hbm4b:s9+s3], $0x80, v3, vm0, $0xb8;
	[tilespmem:$0x18080] =	vst v63  }
0x9d: {  	s22 =	rddreg [dreg:$0x1d]  }
0x9e: {  	[tilespmem:s22], [sflag:$0x2] =	stream.indirect_vreg.gather [hbm4b:s10+s3], $0x80, v3, vm0, $0xb8;
	[tilespmem:$0x18080] =	vst v63  }
0x9f: {  	_ =	swait.ge [sflag:s19], $0xC000  }
0xa0: {  	[sflag:s19] =	ssyncset.done $0x0  }
0xa1: {  	s22 =	rddreg [dreg:$0x4];
	[sflag:s19] =	ssyncadd.s32 $0xFFFF4000  }
0xa2: {  	[hbm4b:s22+s3] =	stream.linear.scatter [tilespmem:s0], [sflag:$0x3], $0xC000, $0x38;
	[tilespmem:$0x18080] =	vst v63  }
0xa3: {  	_ =	swait.ge [sflag:s12], $0xC000  }
0xa4: {  	[sflag:s12] =	ssyncset.done $0x0  }
0xa5: {  	[sflag:s12] =	ssyncadd.s32 $0xFFFF4000  }
0xa6: {  	v3 =	vld [tilespmem:$0x30];
	_ =	sdelay $0x4  }
0xa7: {  	v62 =	vshll.u32 v3, $0x4  }
0xa8: {  	v3 =	vand.u32 $0x7, v3;
	v4 =	vand.u32 $0xFFFFFF80, v62  }
0xa9: {  	v3 =	vor.u32 v3, v4  }
0xaa: {  	v4 =	vperm.xlane v3, v0;
	_ =	sdelay $0x1  }
0xab: {  	v4 =	vadd.s32 v1, v4;
	_ =	sdelay $0x4  }
0xac: {  	[tilespmem:s0], [sflag:$0x1] =	stream.indirect_vreg.gather [hbm4b:s2+s3], $0x80, v4, vm0, $0xb8;
	[tilespmem:$0x18080] =	vst v63  }
0xad: {  	_ = 	snop  }
0xae: {  	[tilespmem:s23], [sflag:$0x1] =	stream.indirect_vreg.gather [hbm4b:s4+s3], $0x80, v4, vm0, $0xb8;
	[tilespmem:$0x18080] =	vst v63  }
0xaf: {  	_ = 	snop  }
0xb0: {  	[tilespmem:s24], [sflag:$0x1] =	stream.indirect_vreg.gather [hbm4b:s5+s3], $0x80, v4, vm0, $0xb8;
	[tilespmem:$0x18080] =	vst v63  }
0xb1: {  	_ = 	snop  }
0xb2: {  	[tilespmem:s25], [sflag:$0x1] =	stream.indirect_vreg.gather [hbm4b:s6+s3], $0x80, v4, vm0, $0xb8;
	[tilespmem:$0x18080] =	vst v63  }
0xb3: {  	_ = 	snop  }
0xb4: {  	[tilespmem:s26], [sflag:$0x1] =	stream.indirect_vreg.gather [hbm4b:s7+s3], $0x80, v4, vm0, $0xb8;
	[tilespmem:$0x18080] =	vst v63  }
0xb5: {  	v3 =	vperm.xlane v3, v2  }
0xb6: {  	[tilespmem:s28], [sflag:$0x1] =	stream.indirect_vreg.gather [hbm4b:s8+s3], $0x80, v4, vm0, $0xb8;
	[tilespmem:$0x18080] =	vst v63  }
0xb7: {  	v3 =	vadd.s32 v1, v3  }
0xb8: {  	[tilespmem:s29], [sflag:$0x1] =	stream.indirect_vreg.gather [hbm4b:s9+s3], $0x80, v4, vm0, $0xb8;
	[tilespmem:$0x18080] =	vst v63  }
0xb9: {  	_ = 	snop  }
0xba: {  	[tilespmem:s30], [sflag:$0x1] =	stream.indirect_vreg.gather [hbm4b:s10+s3], $0x80, v4, vm0, $0xb8;
	[tilespmem:$0x18080] =	vst v63  }
0xbb: {  	_ = 	snop  }
0xbc: {  	[tilespmem:s31], [sflag:$0x1] =	stream.indirect_vreg.gather [hbm4b:s2+s3], $0x80, v3, vm0, $0xb8;
	[tilespmem:$0x18080] =	vst v63  }
0xbd: {  	s22 =	simm.s32 $0x4880  }
0xbe: {  	[tilespmem:s22], [sflag:$0x1] =	stream.indirect_vreg.gather [hbm4b:s4+s3], $0x80, v3, vm0, $0xb8;
	[tilespmem:$0x18080] =	vst v63  }
0xbf: {  	s22 =	simm.s32 $0x5080  }
0xc0: {  	[tilespmem:s22], [sflag:$0x1] =	stream.indirect_vreg.gather [hbm4b:s5+s3], $0x80, v3, vm0, $0xb8;
	[tilespmem:$0x18080] =	vst v63  }
0xc1: {  	_ = 	snop  }
0xc2: {  	[tilespmem:s14], [sflag:$0x1] =	stream.indirect_vreg.gather [hbm4b:s6+s3], $0x80, v3, vm0, $0xb8;
	[tilespmem:$0x18080] =	vst v63  }
0xc3: {  	_ = 	snop  }
0xc4: {  	[tilespmem:s15], [sflag:$0x1] =	stream.indirect_vreg.gather [hbm4b:s7+s3], $0x80, v3, vm0, $0xb8;
	[tilespmem:$0x18080] =	vst v63  }
0xc5: {  	_ = 	snop  }
0xc6: {  	[tilespmem:s16], [sflag:$0x1] =	stream.indirect_vreg.gather [hbm4b:s8+s3], $0x80, v3, vm0, $0xb8;
	[tilespmem:$0x18080] =	vst v63  }
0xc7: {  	_ = 	snop  }
0xc8: {  	[tilespmem:s17], [sflag:$0x1] =	stream.indirect_vreg.gather [hbm4b:s9+s3], $0x80, v3, vm0, $0xb8;
	[tilespmem:$0x18080] =	vst v63  }
0xc9: {  	_ = 	snop  }
0xca: {  	[tilespmem:s18], [sflag:$0x1] =	stream.indirect_vreg.gather [hbm4b:s10+s3], $0x80, v3, vm0, $0xb8;
	[tilespmem:$0x18080] =	vst v63  }
0xcb: {  	v3 =	vld.msk [tilespmem:$0x40], $0xff;
	_ =	sdelay $0x4  }
0xcc: {  	v63 =	vshll.u32 v3, $0x4  }
0xcd: {  	v3 =	vand.u32 $0x7, v3;
	v4 =	vand.u32 $0xFFFFFF80, v63  }
0xce: {  	v3 =	vor.u32 v3, v4  }
0xcf: {  	v3 =	vperm.xlane v3, v0;
	_ =	sdelay $0x1  }
0xd0: {  	v3 =	vadd.s32 v1, v3;
	_ =	sdelay $0x4  }
0xd1: {  	[tilespmem:s20], [sflag:$0x1] =	stream.indirect_vreg.gather [hbm4b:s2+s3], $0x80, v3, vm0, $0xb8;
	[tilespmem:$0x18080] =	vst v63  }
0xd2: {  	_ = 	snop  }
0xd3: {  	[tilespmem:s13], [sflag:$0x1] =	stream.indirect_vreg.gather [hbm4b:s4+s3], $0x80, v3, vm0, $0xb8;
	[tilespmem:$0x18080] =	vst v63  }
0xd4: {  	s21 =	simm.s32 $0x9080  }
0xd5: {  	[tilespmem:s21], [sflag:$0x1] =	stream.indirect_vreg.gather [hbm4b:s5+s3], $0x80, v3, vm0, $0xb8;
	[tilespmem:$0x18080] =	vst v63  }
0xd6: {  	s22 =	simm.s32 $0x9880  }
0xd7: {  	[tilespmem:s22], [sflag:$0x1] =	stream.indirect_vreg.gather [hbm4b:s6+s3], $0x80, v3, vm0, $0xb8;
	[tilespmem:$0x18080] =	vst v63  }
0xd8: {  	s21 =	simm.s32 $0xA080  }
0xd9: {  	[tilespmem:s21], [sflag:$0x1] =	stream.indirect_vreg.gather [hbm4b:s7+s3], $0x80, v3, vm0, $0xb8;
	[tilespmem:$0x18080] =	vst v63  }
0xda: {  	s22 =	simm.s32 $0xA880  }
0xdb: {  	[tilespmem:s22], [sflag:$0x1] =	stream.indirect_vreg.gather [hbm4b:s8+s3], $0x80, v3, vm0, $0xb8;
	[tilespmem:$0x18080] =	vst v63  }
0xdc: {  	s21 =	simm.s32 $0xB080  }
0xdd: {  	[tilespmem:s21], [sflag:$0x1] =	stream.indirect_vreg.gather [hbm4b:s9+s3], $0x80, v3, vm0, $0xb8;
	[tilespmem:$0x18080] =	vst v63  }
0xde: {  	s22 =	simm.s32 $0xB880;
	s21 =	simm.s32 $0x2  }
0xdf: {  	[tilespmem:s22], [sflag:$0x1] =	stream.indirect_vreg.gather [hbm4b:s10+s3], $0x80, v3, vm0, $0xb8;
	[tilespmem:$0x18080] =	vst v63  }
0xe0: {  	_ =	swait.ge [sflag:s21], $0xC000  }
0xe1: {  	[sflag:s21] =	ssyncset.done $0x0  }
0xe2: {  	s22 =	rddreg [dreg:$0x5];
	[sflag:s21] =	ssyncadd.s32 $0xFFFF4000  }
0xe3: {  	[hbm4b:s22+s3] =	stream.linear.scatter [tilespmem:s1], [sflag:$0x3], $0xC000, $0x38;
	[tilespmem:$0x18080] =	vst v63  }
0xe4: {  	_ =	swait.ge [sflag:s12], $0xC000  }
0xe5: {  	[sflag:s12] =	ssyncset.done $0x0  }
0xe6: {  	[sflag:s12] =	ssyncadd.s32 $0xFFFF4000  }
0xe7: {  	_ =	swait.ge [sflag:s19], $0xC000  }
0xe8: {  	p0 =	sne.s32 s11, $0x1;
	[sflag:s19] =	ssyncset.done $0x0  }
.Ltmp0:
0xe9: {  	s22 =	rddreg [dreg:$0x6];
	[sflag:s19] =	ssyncadd.s32 $0xFFFF4000;
	(pc) =	sbr.rel @p0 .LBB2_1-.Ltmp0, $4  }
0xea: {  	[hbm4b:s22+s3] =	stream.linear.scatter [tilespmem:s0], [sflag:$0x3], $0xC000, $0x38;
	[tilespmem:$0x18080] =	vst v63  }
0xeb: {  	_ =	swait.ge [sflag:s12], $0xC000  }
0xec: {  	[sflag:s12] =	ssyncset.done $0x0  }
0xed: {  	s11 =	sadd.s32 $0xFFFFFFFF, s11;
	[sflag:s12] =	ssyncadd.s32 $0xFFFF4000  }
0xee: {  	_ =	sfence.sel $0x180000  }
0xef: {  	[bflag:$0x0] =	sbarrier.arrive $0xFFFF  }
0xf0: {  	_ =	strace $0x9000004A  }
0xf1: {  	s0 =	stileid.u32;
	[bflag:$0x2] =	sbarrier.arrive $0xFFFF  }
0xf2: {  	p0 =	sne.s32 s0, $0x0;
	s0 =	rddreg [dreg:$0x2]  }
0xf3: {  	s0 =	sadd.s32 @!p0 $0x100000, s0  }
0xf4: {  	[sflag:s0] =	ssyncadd.tile.s32 @!p0 $0x1;
	_ =	shalt  }
.Lfunc_end2:
_tile_overlayer_lowered:
.L_overlay_start_2:
0xf5: {  	(tag) =	ssettag $0x2  }
0xf6: {  	s0 =	rddreg [dreg:$0x0];
	s2 =	stileid.u32  }
0xf7: {  	s1 =	rddreg [dreg:$0x1];
	p0 =	sne.s32 s2, $0x0  }
0xf8: {  	s3 =	rddreg [dreg:$0x2];
	[bflag:$0x3] =	sbarrier.arrive $0xFFFF;
	s2 =	simm.s32 @!p0 $0x1C03  }
0xf9: {  	[timem:s3], [sflag:s2] =	dma.local @!p0 [hbm:s0], s1  }
0xfa: {  	s0 =	simm.s32 @!p0 $0x3  }
0xfb: {  	_ =	swait.ge @!p0 [sflag:s0], s1  }
0xfc: {  	s1 =	ssub.s32 @!p0 $0x0, s1;
	[sflag:s0] =	ssyncset.done @!p0 $0x0  }
0xfd: {  	[sflag:s0] =	ssyncadd.s32 @!p0 s1  }
0xfe: {  	[bflag:$0x3] =	sbarrier.arrive $0xFFFF  }
0xff: {  	_ =	shalt  }

// kernel: kernel.13.cloned.1.call-start
scs
__scs_entry_jumppad:
0x0: {  	(pc) =	sbr.rel $0x88, $3  }
0x1: {  	(tag) =	ssettag $0x0;
	lr =	simm.s32 $0x1  }
0x2: {  	[smem:$0x3F99] =	sst lr;
	_ =	strace $0xD0000000  }
0x3: {  	_ = 	snop  }
0x4: {  	_ = 	snop  }
0x5: {  	_ = 	snop  }
0x6: {  	_ = 	snop  }
0x7: {  	_ = 	snop  }
__scs_overlays_trampoline_lowered:
0x8: {  	[smem:$0x3FA8] =	sst s0  }
0x9: {  	[smem:$0x3FA9] =	sst s1  }
0xa: {  	[smem:$0x3FAA] =	sst s2  }
0xb: {  	[smem:$0x3FAB] =	sst s3  }
0xc: {  	[smem:$0x3FAC] =	sst s4  }
0xd: {  	[smem:$0x3FAD] =	sst s5  }
0xe: {  	[smem:$0x3FAE] =	sst s6  }
0xf: {  	[smem:$0x3FAF] =	sst s7  }
0x10: {  	[smem:$0x3FB0] =	sst s8  }
0x11: {  	[smem:$0x3FB1] =	sst s9;
	s0 =	simm.s32 @!p0 $0x0  }
0x12: {  	s1 =	sld [smem:$0x3F97];
	s0 =	simm.s32 @p0 $0x1  }
0x13: {  	[smem:$0x3FB2] =	sst s0;
	s0 =	simm.s32 @!p1 $0x0  }
0x14: {  	s2 =	sld [smem:$0x3F96];
	s0 =	simm.s32 @p1 $0x1  }
0x15: {  	[smem:$0x3FB3] =	sst s0;
	s0 =	simm.s32 @!p2 $0x0  }
0x16: {  	s3 =	sld [smem:$0x3FDB];
	s0 =	simm.s32 @p2 $0x1  }
0x17: {  	s4 =	simm.s32 $0x1BF5;
	[smem:$0x3FB5] =	sst s0  }
0x18: {  	s0 =	sld [smem:$0x3F98];
	_ =	swait.ge [sflag:s4], $0x0  }
0x19: {  	s7 =	sld [smem:$0x3F99]  }
0x1a: {  	s8 =	sadd.s32 $0xFFFFE003, lr  }
0x1b: {  	s9 =	sadd.s32 $0xFFFFFEF7, lr;
	s5 =	simm.s32 $0xFFFFFFFF;
	p2 =	slt.u32 s8, $0xFFFFF086  }
0x1c: {  	p1 =	slt.u32 s9, $0xF7A;
	s5 =	simm.s32 @!p2 $0x0  }
0x1d: {  	s5 =	simm.s32 @p1 $0x1;
	p0 =	seq.s32 s7, s2  }
0x1e: {  	s7 =	smul.u32 @!p0 $0xF7A, s2;
	p2 =	seq.s32 @!p0 s5, $0x0  }
0x1f: {  	s9 =	smul.u32 $0xF7A, s1;
	s8 =	simm.s32 @!p0 $0x1BF5;
	p2 =	por !p2, p0  }
0x20: {  	[sflag:s8] =	ssyncset.s32 @!p0 $0xFFFFF086;
	s6 =	sadd.s32 @!p0 s3, s7;
	s7 =	simm.s32 @!p0 $0x108  }
0x21: {  	s3 =	sadd.s32 s3, s9;
	s6 =	sadd.s32 @!p0 $0x88, s6;
	s7 =	simm.s32 @p2 $0x1082  }
0x22: {  	[simem:s7], [sflag:s8] =	dma.local @!p0 [hbm:s6], $0xF7A  }
0x23: {  	s9 =	sor.u32 $0xD0000000, s2;
	s6 =	simm.s32 $0x108;
	_ =	swait.ge @!p0 [sflag:s8], $0x0  }
0x24: {  	s3 =	sadd.s32 $0x88, s3;
	s6 =	simm.s32 @!p1 $0x1082;
	[sflag:s4] =	ssyncset.s32 $0xFFFFF086  }
0x25: {  	[simem:s6], [sflag:s4] =	dma.local [hbm:s3], $0xF7A  }
0x26: {  	[smem:$0x3F99] =	sst s1;
	(tag) =	ssettag s2;
	_ =	strace s9  }
0x27: {  	s1 =	sld [smem:$0x3FA9]  }
0x28: {  	s2 =	sld [smem:$0x3FAA]  }
0x29: {  	s4 =	sld [smem:$0x3FAC]  }
0x2a: {  	p0 =	seq.s32 s5, $0x0;
	s5 =	sld [smem:$0x3FAD]  }
0x2b: {  	s6 =	sld [smem:$0x3FAE]  }
0x2c: {  	s7 =	sld [smem:$0x3FAF]  }
0x2d: {  	s3 =	simm.s32 $0x108;
	s8 =	sld [smem:$0x3FB0]  }
0x2e: {  	s3 =	simm.s32 @!p0 $0x1082;
	s9 =	sld [smem:$0x3FB1]  }
0x2f: {  	lr =	sadd.s32 s0, s3;
	s0 =	sld [smem:$0x3FA8]  }
0x30: {  	s3 =	sld [smem:$0x3FAB]  }
0x31: {  	[smem:$0x3FB4] =	sst s10  }
0x32: {  	s10 =	sld [smem:$0x3FB2];
	_ =	sdelay $0x3  }
0x33: {  	p0 =	seq.s32 s10, $0x1;
	s10 =	sld [smem:$0x3FB4];
	_ =	sdelay $0x3  }
0x34: {  	[smem:$0x3FB4] =	sst s10  }
0x35: {  	s10 =	sld [smem:$0x3FB3];
	_ =	sdelay $0x3  }
0x36: {  	p1 =	seq.s32 s10, $0x1;
	s10 =	sld [smem:$0x3FB4];
	_ =	sdelay $0x3  }
0x37: {  	[smem:$0x3FB4] =	sst s10  }
0x38: {  	s10 =	sld [smem:$0x3FB5]  }
0x39: {  	_ = 	snop;
	(pc) =	sbr.ind lr, $3  }
0x3a: {  	_ = 	snop  }
0x3b: {  	_ = 	snop  }
0x3c: {  	p2 =	seq.s32 s10, $0x1;
	s10 =	sld [smem:$0x3FB4]  }
0x3d: {  	_ =	shalt  }
0x3e: {  	_ =	shalt  }
0x3f: {  	_ =	shalt  }
0x40: {  	_ =	shalt  }
0x41: {  	_ =	shalt  }
0x42: {  	_ =	shalt  }
0x43: {  	_ =	shalt  }
0x44: {  	_ =	shalt  }
0x45: {  	_ =	shalt  }
0x46: {  	_ =	shalt  }
0x47: {  	_ =	shalt  }
0x48: {  	_ =	shalt  }
0x49: {  	_ =	shalt  }
0x4a: {  	_ =	shalt  }
0x4b: {  	_ =	shalt  }
0x4c: {  	_ =	shalt  }
0x4d: {  	_ =	shalt  }
0x4e: {  	_ =	shalt  }
0x4f: {  	_ =	shalt  }
0x50: {  	_ =	shalt  }
0x51: {  	_ =	shalt  }
0x52: {  	_ =	shalt  }
0x53: {  	_ =	shalt  }
0x54: {  	_ =	shalt  }
0x55: {  	_ =	shalt  }
0x56: {  	_ =	shalt  }
0x57: {  	_ =	shalt  }
0x58: {  	_ =	shalt  }
0x59: {  	_ =	shalt  }
0x5a: {  	_ =	shalt  }
0x5b: {  	_ =	shalt  }
0x5c: {  	_ =	shalt  }
0x5d: {  	_ =	shalt  }
0x5e: {  	_ =	shalt  }
0x5f: {  	_ =	shalt  }
0x60: {  	_ =	shalt  }
0x61: {  	_ =	shalt  }
0x62: {  	_ =	shalt  }
0x63: {  	_ =	shalt  }
0x64: {  	_ =	shalt  }
0x65: {  	_ =	shalt  }
0x66: {  	_ =	shalt  }
0x67: {  	_ =	shalt  }
0x68: {  	_ =	shalt  }
0x69: {  	_ =	shalt  }
0x6a: {  	_ =	shalt  }
0x6b: {  	_ =	shalt  }
0x6c: {  	_ =	shalt  }
0x6d: {  	_ =	shalt  }
0x6e: {  	_ =	shalt  }
0x6f: {  	_ =	shalt  }
0x70: {  	_ =	shalt  }
0x71: {  	_ =	shalt  }
0x72: {  	_ =	shalt  }
0x73: {  	_ =	shalt  }
0x74: {  	_ =	shalt  }
0x75: {  	_ =	shalt  }
0x76: {  	_ =	shalt  }
0x77: {  	_ =	shalt  }
0x78: {  	_ =	shalt  }
0x79: {  	_ =	shalt  }
0x7a: {  	_ =	shalt  }
0x7b: {  	_ =	shalt  }
0x7c: {  	_ =	shalt  }
0x7d: {  	_ =	shalt  }
0x7e: {  	_ =	shalt  }
0x7f: {  	_ =	shalt  }
0x80: {  	_ =	shalt  }
0x81: {  	_ =	shalt  }
0x82: {  	_ =	shalt  }
0x83: {  	_ =	shalt  }
0x84: {  	_ =	shalt  }
0x85: {  	_ =	shalt  }
0x86: {  	_ =	shalt  }
0x87: {  	_ =	shalt  }
.Lfunc_end0:
.L_simem_size_0:
called_computation.2_lowered:
.L_overlay_start_0:
0x88: {  	s2 =	sld [smem:$0x3FD9]  }
0x89: {  	s3 =	sld [smem:$0x3FFE];
	_ =	sdelay $0x1  }
0x8a: {  	s1 =	srdreg.scid  }
0x8b: {  	s0 =	sand.u32 $0x1, s1  }
0x8c: {  	s17 =	sshll.u32 s0, $0xA;
	s2 =	sadd.s32 s3, s2  }
0x8d: {  	s2 =	sadd.s32 s2, s17  }
0x8e: {  	[smem:$0x3FC0] =	sst s2  }
0x8f: {  	_ = 	snop  }
0x90: {  	s2 =	sld [smem:$0x3FD0];
	(tm) =	ssettm $0x1  }
0x91: {  	s18 =	sld [smem:$0x3FFB];
	_ =	sdelay $0x3  }
0x92: {  	_ =	strace s18  }
0x93: {  	s3 =	sld [smem:$0x3FFC];
	_ =	sdelay $0x3  }
0x94: {  	_ =	strace s3  }
0x95: {  	s3 =	sld [smem:$0x3FFD];
	_ =	sdelay $0x3  }
0x96: {  	_ =	strace s3  }
0x97: {  	_ =	strace $0x8FFFFFFF  }
0x98: {  	s19 =	sld [smem:$0x3FDB];
	_ =	sdelay $0x1  }
0x99: {  	s4 =	simm.s32 $_scs_section_size  }
0x9a: {  	s5 =	simm.s32 $_size__tile_overlayer_lowered;
	s6 =	simm.s32 $_tile_overlayer_lowered  }
0x9b: {  	s22 =	simm.s32 $0x1BFF;
	s21 =	sshll.u32 s6, $0x1;
	s3 =	sadd.s32 s4, s19  }
0x9c: {  	s7 =	simm.s32 $0x0;
	s20 =	sshll.u32 s5, $0x1;
	s5 =	sadd.s32 s21, s3  }
0x9d: {  	[timem:s7], [sflag:s22] =	dma.local [hbm:s5], s20  }
0x9e: {  	_ =	swait.ge [sflag:s22], s20  }
0x9f: {  	s4 =	ssub.s32 $0x0, s20;
	[sflag:s22] =	ssyncset.done $0x0  }
0xa0: {  	[sflag:s22] =	ssyncadd.s32 s4;
	_ =	sdelay $0x1  }
0xa1: {  	s23 =	simm.s32 $0x1B8B  }
0xa2: {  	_ =	swait.ge [sflag:s23], $0x1  }
0xa3: {  	[sflag:s23] =	ssyncset.done $0x0  }
0xa4: {  	s25 =	simm.s32 $0x1B8E;
	s24 =	sld [smem:$0x3FFE];
	[sflag:s23] =	ssyncadd.s32 $0xFFFFFFFF  }
0xa5: {  	s26 =	simm.s32 $execute0_lowered;
	[smem:$0x3FD2] =	sst s25  }
0xa6: {  	s5 =	sshll.u32 s26, $0x1;
	_ =	strace $0x8000004C;
	[dreg:$0x1] =	wrdreg $0xFFFFFFFF  }
0xa7: {  	s28 =	simm.s32 $_size_execute0_lowered;
	s3 =	sadd.s32 s3, s5;
	[dreg:$0x0] =	wrdreg $0x0  }
0xa8: {  	s5 =	sshll.u32 s28, $0x1;
	[dreg:$0x2] =	wrdreg s3  }
0xa9: {  	[dreg:$0x3] =	wrdreg s5  }
0xaa: {  	[dreg:$0x4] =	wrdreg $0xC0  }
0xab: {  	_ =	task [dreg:s7], $0x5FFFF  }
0xac: {  	[dreg:$0x1] =	wrdreg $0xFFFFFFFF  }
0xad: {  	[dreg:$0x0] =	wrdreg $0x60  }
0xae: {  	[dreg:$0x2] =	wrdreg s24  }
0xaf: {  	[dreg:$0x3] =	wrdreg s2  }
0xb0: {  	[dreg:$0x4] =	wrdreg $0x9  }
0xb1: {  	_ =	task.clear_ibuf [dreg:s7], $0x5FFFF;
	_ =	strace $0x9000004C  }
0xb2: {  	s29 =	simm.s32 $0x9;
	_ =	strace $0x8000004E  }
0xb3: {  	_ =	swait.ge [sflag:s29], $0x1  }
0xb4: {  	[sflag:s29] =	ssyncadd.s32 $0xFFFFFFFF  }
0xb5: {  	_ =	strace $0x9000004E  }
0xb6: {  	_ =	sfence  }
0xb7: {  	s30 =	sld [smem:$0x0];
	_ =	sdelay $0x2  }
0xb8: {  	s31 =	sshll.u32 s1, $0xD;
	s1 =	sshrl.u32 s1, $0x2  }
0xb9: {  	s3 =	sand.u32 $0x4000, s31;
	s1 =	sadd.s32 s1, s30  }
0xba: {  	s0 =	sor.u32 s3, s0;
	s1 =	sshll.u32 s1, $0x11  }
0xbb: {  	s0 =	sor.u32 s1, s0  }
0xbc: {  	s0 =	sadd.s32 $0x8F2B, s0  }
0xbd: {  	[sflag:s0] =	ssyncadd.remote.s32 $0x1  }
0xbe: {  	_ =	sfence.sel $0xFFFF  }
0xbf: {  	[dreg:$0x0] =	wrdreg $0xFFFFFFFF;
	(pc) =	sbr.abs _section_cstart, $3  }
0xc0: {  	[dreg:$0x1] =	wrdreg $0xFFFFFFFF  }
0xc1: {  	_ =	task.clear_ibuf [dreg:s7], $0x2FFFF;
	_ =	strace $0x9FFFFFFF  }
0xc2: {  	(tm) =	ssettm $0x7FFFFFFF  }
0xc3: {  	_ =	shalt  }
tec
execute0_lowered:
.L_overlay_start_1:
0x0: {  	(tag) =	ssettag $0x1  }
0x1: {  	s0 =	rddreg [dreg:$0x0];
	s2 =	stileid.u32  }
0x2: {  	s3 =	rddreg [dreg:$0x1];
	s4 =	sshll.u32 s2, $0x1;
	s2 =	simm.s32 $0x0  }
0x3: {  	s8 =	simm.s32 $0xD200;
	[smem:$0x7FF] =	sst s2  }
0x4: {  	s10 =	simm.s32 $0xDA00;
	_ =	strace $0x8000004D;
	[dreg:$0x8] =	wrdreg s8  }
0x5: {  	s11 =	simm.s32 $0xE200;
	[dreg:$0x9] =	wrdreg s10  }
0x6: {  	s1 =	srdreg.scid;
	s12 =	simm.s32 $0xEA00;
	[dreg:$0xa] =	wrdreg s11  }
0x7: {  	s13 =	simm.s32 $0xF200;
	s14 =	simm.s32 $0x11A00;
	[dreg:$0xb] =	wrdreg s12  }
0x8: {  	s15 =	simm.s32 $0x12200;
	s16 =	simm.s32 $0x12A00;
	[dreg:$0xc] =	wrdreg s13  }
0x9: {  	s17 =	simm.s32 $0x13200;
	s18 =	simm.s32 $0x13A00;
	[dreg:$0x11] =	wrdreg s14  }
0xa: {  	s19 =	simm.s32 $0x14200;
	s20 =	simm.s32 $0x14A00;
	[dreg:$0x12] =	wrdreg s15  }
0xb: {  	s21 =	simm.s32 $0x15200;
	s22 =	simm.s32 $0x15A00;
	[dreg:$0x13] =	wrdreg s16  }
0xc: {  	s23 =	simm.s32 $0x16200;
	s24 =	simm.s32 $0x16A00;
	[dreg:$0x14] =	wrdreg s17  }
0xd: {  	s25 =	simm.s32 $0x17200;
	s26 =	simm.s32 $0x17A00;
	[dreg:$0x15] =	wrdreg s18  }
0xe: {  	s28 =	simm.s32 $0x2A00;
	s29 =	simm.s32 $0x3200;
	[dreg:$0x16] =	wrdreg s19  }
0xf: {  	s30 =	simm.s32 $0x3A00;
	s31 =	simm.s32 $0x4200;
	[dreg:$0x17] =	wrdreg s20  }
0x10: {  	s1 =	sand.u32 $0x1, s1;
	s7 =	sadd.s32 $0x1800, s0;
	[dreg:$0x18] =	wrdreg s21  }
0x11: {  	s4 =	sor.u32 s1, s4;
	s1 =	ssub.s32 $0x2, s1;
	[dreg:$0x19] =	wrdreg s22  }
0x12: {  	s5 =	smul.u32 $0x24000, s4;
	s6 =	sshll.u32 s4, $0x6;
	[dreg:$0x1a] =	wrdreg s23  }
0x13: {  	s4 =	smul.u32 $0x4800, s4;
	s9 =	sshrl.u32 s1, $0x1;
	[dreg:$0x1b] =	wrdreg s24  }
0x14: {  	s8 =	simm.s32 $0xFA00;
	s10 =	simm.s32 $0x10A00;
	[dreg:$0x1c] =	wrdreg s25  }
0x15: {  	s11 =	simm.s32 $0x11200;
	s12 =	simm.s32 $0x3;
	[dreg:$0x1d] =	wrdreg s26  }
0x16: {  	s19 =	simm.s32 $0x1;
	s23 =	simm.s32 $0xA00;
	s24 =	simm.s32 $0x1200  }
0x17: {  	s25 =	simm.s32 $0x1A00;
	s26 =	simm.s32 $0x2200;
	s14 =	simm.s32 $0x5A00  }
0x18: {  	s15 =	simm.s32 $0x6200;
	s16 =	simm.s32 $0x6A00;
	s17 =	simm.s32 $0x7200  }
0x19: {  	s18 =	simm.s32 $0x7A00;
	s20 =	simm.s32 $0x8200;
	s13 =	simm.s32 $0x8A00  }
0x1a: {  	s3 =	sadd.s32 s3, s6;
	s1 =	ssub.s32 s1, s9;
	[dreg:$0xd] =	wrdreg s8  }
0x1b: {  	s9 =	simm.s32 $0x10200;
	s8 =	sadd.s32 $0x91D00, s0;
	[dreg:$0xf] =	wrdreg s10  }
0x1c: {  	s10 =	sadd.s32 $0x91F00, s0;
	[dreg:$0x10] =	wrdreg s11;
	s5 =	sshrl.u32 s5, $0x3  }
0x1d: {  	[dreg:$0x3] =	wrdreg s3;
	s4 =	sadd.s32 s7, s4;
	s3 =	sadd.s32 $0x91800, s0  }
0x1e: {  	[dreg:$0xe] =	wrdreg s9;
	s9 =	sadd.s32 $0x91E00, s0;
	s11 =	smax.u32 s1, $0x1  }
0x1f: {  	s5 =	sadd.s32 s7, s5;
	[dreg:$0x4] =	wrdreg s4;
	s7 =	simm.s32 $0xCA00  }
0x20: {  	v2 =	vlaneseq.u32;
	s6 =	sadd.s32 $0x1800, s5;
	s4 =	sadd.s32 $0x3000, s5;
	[dreg:$0x7] =	wrdreg s7  }
0x21: {  	vm0 =	vmmov $0xffff;
	v1 =	vshrl.u32 v2, $0x3;
	s5 =	sadd.s32 $0x91A00, s0;
	s7 =	sadd.s32 $0x91C00, s0;
	[dreg:$0x5] =	wrdreg s6  }
0x22: {  	v0 =	vand.u32 $0x7, v2;
	v2 =	vor.u32 $0x8, v2;
	v1 =	vmul.u32 $0x8, v1;
	[dreg:$0x6] =	wrdreg s4;
	s4 =	sadd.s32 $0x91900, s0;
	s6 =	sadd.s32 $0x91B00, s0  }
.LBB2_1:
0x23: {  	s21 =	rddreg [dreg:$0x3]  }
0x24: {  	[tilespmem:s2], [sflag:$0x3] =	stream.linear.gather [hbm4b:s21+s2], $0x180, $0x38;
	[tilespmem:$0x18200] =	vst v63  }
0x25: {  	_ =	swait.ge [sflag:s12], $0x180  }
0x26: {  	[sflag:s12] =	ssyncset.done $0x0  }
0x27: {  	s0 =	simm.s32 $0x200;
	s1 =	rddreg [dreg:$0x4];
	[sflag:s12] =	ssyncadd.s32 $0xFFFFFE80  }
0x28: {  	[tilespmem:s0], [sflag:$0x3] =	stream.linear.gather [hbm4b:s1+s2], $0xC000, $0x38;
	[tilespmem:$0x18200] =	vst v63  }
0x29: {  	_ =	swait.ge [sflag:s12], $0xC000  }
0x2a: {  	[sflag:s12] =	ssyncset.done $0x0  }
0x2b: {  	[sflag:s12] =	ssyncadd.s32 $0xFFFF4000  }
0x2c: {  	v3 =	vld [tilespmem:$0x0];
	_ =	sdelay $0x4  }
0x2d: {  	v4 =	vshll.u32 v3, $0x4  }
0x2e: {  	v3 =	vand.u32 $0x7, v3;
	v4 =	vand.u32 $0xFFFFFF80, v4  }
0x2f: {  	v3 =	vor.u32 v3, v4  }
0x30: {  	v4 =	vperm.xlane v3, v0;
	_ =	sdelay $0x1  }
0x31: {  	v4 =	vadd.s32 v1, v4;
	_ =	sdelay $0x4  }
0x32: {  	[hbm4b:s3+s2] =	stream.indirect_vreg.scatter [tilespmem:s0], [sflag:$0x1], $0x80, v4, vm0, $0xb8;
	[tilespmem:$0x18200] =	vst v63  }
0x33: {  	_ = 	snop  }
0x34: {  	[hbm4b:s4+s2] =	stream.indirect_vreg.scatter [tilespmem:s23], [sflag:$0x1], $0x80, v4, vm0, $0xb8;
	[tilespmem:$0x18200] =	vst v63  }
0x35: {  	_ = 	snop  }
0x36: {  	[hbm4b:s5+s2] =	stream.indirect_vreg.scatter [tilespmem:s24], [sflag:$0x1], $0x80, v4, vm0, $0xb8;
	[tilespmem:$0x18200] =	vst v63  }
0x37: {  	_ = 	snop  }
0x38: {  	[hbm4b:s6+s2] =	stream.indirect_vreg.scatter [tilespmem:s25], [sflag:$0x1], $0x80, v4, vm0, $0xb8;
	[tilespmem:$0x18200] =	vst v63  }
0x39: {  	_ = 	snop  }
0x3a: {  	[hbm4b:s7+s2] =	stream.indirect_vreg.scatter [tilespmem:s26], [sflag:$0x1], $0x80, v4, vm0, $0xb8;
	[tilespmem:$0x18200] =	vst v63  }
0x3b: {  	v3 =	vperm.xlane v3, v2  }
0x3c: {  	[hbm4b:s8+s2] =	stream.indirect_vreg.scatter [tilespmem:s28], [sflag:$0x1], $0x80, v4, vm0, $0xb8;
	[tilespmem:$0x18200] =	vst v63  }
0x3d: {  	v3 =	vadd.s32 v1, v3  }
0x3e: {  	[hbm4b:s9+s2] =	stream.indirect_vreg.scatter [tilespmem:s29], [sflag:$0x1], $0x80, v4, vm0, $0xb8;
	[tilespmem:$0x18200] =	vst v63  }
0x3f: {  	_ = 	snop  }
0x40: {  	[hbm4b:s10+s2] =	stream.indirect_vreg.scatter [tilespmem:s30], [sflag:$0x1], $0x80, v4, vm0, $0xb8;
	[tilespmem:$0x18200] =	vst v63  }
0x41: {  	_ = 	snop  }
0x42: {  	[hbm4b:s3+s2] =	stream.indirect_vreg.scatter [tilespmem:s31], [sflag:$0x1], $0x80, v3, vm0, $0xb8;
	[tilespmem:$0x18200] =	vst v63  }
0x43: {  	s1 =	simm.s32 $0x4A00  }
0x44: {  	[hbm4b:s4+s2] =	stream.indirect_vreg.scatter [tilespmem:s1], [sflag:$0x1], $0x80, v3, vm0, $0xb8;
	[tilespmem:$0x18200] =	vst v63  }
0x45: {  	s22 =	simm.s32 $0x5200  }
0x46: {  	[hbm4b:s5+s2] =	stream.indirect_vreg.scatter [tilespmem:s22], [sflag:$0x1], $0x80, v3, vm0, $0xb8;
	[tilespmem:$0x18200] =	vst v63  }
0x47: {  	_ = 	snop  }
0x48: {  	[hbm4b:s6+s2] =	stream.indirect_vreg.scatter [tilespmem:s14], [sflag:$0x1], $0x80, v3, vm0, $0xb8;
	[tilespmem:$0x18200] =	vst v63  }
0x49: {  	_ = 	snop  }
0x4a: {  	[hbm4b:s7+s2] =	stream.indirect_vreg.scatter [tilespmem:s15], [sflag:$0x1], $0x80, v3, vm0, $0xb8;
	[tilespmem:$0x18200] =	vst v63  }
0x4b: {  	_ = 	snop  }
0x4c: {  	[hbm4b:s8+s2] =	stream.indirect_vreg.scatter [tilespmem:s16], [sflag:$0x1], $0x80, v3, vm0, $0xb8;
	[tilespmem:$0x18200] =	vst v63  }
0x4d: {  	_ = 	snop  }
0x4e: {  	[hbm4b:s9+s2] =	stream.indirect_vreg.scatter [tilespmem:s17], [sflag:$0x1], $0x80, v3, vm0, $0xb8;
	[tilespmem:$0x18200] =	vst v63  }
0x4f: {  	_ = 	snop  }
0x50: {  	[hbm4b:s10+s2] =	stream.indirect_vreg.scatter [tilespmem:s18], [sflag:$0x1], $0x80, v3, vm0, $0xb8;
	[tilespmem:$0x18200] =	vst v63  }
0x51: {  	v3 =	vld.msk [tilespmem:$0x10], $0xff;
	_ =	sdelay $0x4  }
0x52: {  	v59 =	vshll.u32 v3, $0x4  }
0x53: {  	v3 =	vand.u32 $0x7, v3;
	v4 =	vand.u32 $0xFFFFFF80, v59  }
0x54: {  	v3 =	vor.u32 v3, v4  }
0x55: {  	v3 =	vperm.xlane v3, v0;
	_ =	sdelay $0x1  }
0x56: {  	v3 =	vadd.s32 v1, v3;
	_ =	sdelay $0x4  }
0x57: {  	[hbm4b:s3+s2] =	stream.indirect_vreg.scatter [tilespmem:s20], [sflag:$0x1], $0x80, v3, vm0, $0xb8;
	[tilespmem:$0x18200] =	vst v63  }
0x58: {  	_ = 	snop  }
0x59: {  	[hbm4b:s4+s2] =	stream.indirect_vreg.scatter [tilespmem:s13], [sflag:$0x1], $0x80, v3, vm0, $0xb8;
	[tilespmem:$0x18200] =	vst v63  }
0x5a: {  	s21 =	simm.s32 $0x9200  }
0x5b: {  	[hbm4b:s5+s2] =	stream.indirect_vreg.scatter [tilespmem:s21], [sflag:$0x1], $0x80, v3, vm0, $0xb8;
	[tilespmem:$0x18200] =	vst v63  }
0x5c: {  	s22 =	simm.s32 $0x9A00  }
0x5d: {  	[hbm4b:s6+s2] =	stream.indirect_vreg.scatter [tilespmem:s22], [sflag:$0x1], $0x80, v3, vm0, $0xb8;
	[tilespmem:$0x18200] =	vst v63  }
0x5e: {  	s21 =	simm.s32 $0xA200  }
0x5f: {  	[hbm4b:s7+s2] =	stream.indirect_vreg.scatter [tilespmem:s21], [sflag:$0x1], $0x80, v3, vm0, $0xb8;
	[tilespmem:$0x18200] =	vst v63  }
0x60: {  	s22 =	simm.s32 $0xAA00  }
0x61: {  	[hbm4b:s8+s2] =	stream.indirect_vreg.scatter [tilespmem:s22], [sflag:$0x1], $0x80, v3, vm0, $0xb8;
	[tilespmem:$0x18200] =	vst v63  }
0x62: {  	s21 =	simm.s32 $0xB200  }
0x63: {  	[hbm4b:s9+s2] =	stream.indirect_vreg.scatter [tilespmem:s21], [sflag:$0x1], $0x80, v3, vm0, $0xb8;
	[tilespmem:$0x18200] =	vst v63  }
0x64: {  	s1 =	simm.s32 $0xBA00  }
0x65: {  	[hbm4b:s10+s2] =	stream.indirect_vreg.scatter [tilespmem:s1], [sflag:$0x1], $0x80, v3, vm0, $0xb8;
	[tilespmem:$0x18200] =	vst v63  }
0x66: {  	s22 =	simm.s32 $0xC200;
	s21 =	rddreg [dreg:$0x5]  }
0x67: {  	[tilespmem:s22], [sflag:$0x3] =	stream.linear.gather [hbm4b:s21+s2], $0xC000, $0x38;
	[tilespmem:$0x18200] =	vst v63  }
0x68: {  	_ =	swait.ge [sflag:s12], $0xC000  }
0x69: {  	[sflag:s12] =	ssyncset.done $0x0  }
0x6a: {  	[sflag:s12] =	ssyncadd.s32 $0xFFFF4000  }
0x6b: {  	_ =	swait.ge [sflag:s19], $0xC000  }
0x6c: {  	[sflag:s19] =	ssyncset.done $0x0  }
0x6d: {  	[sflag:s19] =	ssyncadd.s32 $0xFFFF4000  }
0x6e: {  	v3 =	vld [tilespmem:$0x80];
	_ =	sdelay $0x4  }
0x6f: {  	v60 =	vshll.u32 v3, $0x4  }
0x70: {  	v3 =	vand.u32 $0x7, v3;
	v4 =	vand.u32 $0xFFFFFF80, v60  }
0x71: {  	v3 =	vor.u32 v3, v4  }
0x72: {  	v4 =	vperm.xlane v3, v0;
	_ =	sdelay $0x1  }
0x73: {  	v4 =	vadd.s32 v1, v4;
	_ =	sdelay $0x4  }
0x74: {  	[hbm4b:s3+s2] =	stream.indirect_vreg.scatter [tilespmem:s22], [sflag:$0x2], $0x80, v4, vm0, $0xb8;
	[tilespmem:$0x18200] =	vst v63  }
0x75: {  	s21 =	rddreg [dreg:$0x7]  }
0x76: {  	[hbm4b:s4+s2] =	stream.indirect_vreg.scatter [tilespmem:s21], [sflag:$0x2], $0x80, v4, vm0, $0xb8;
	[tilespmem:$0x18200] =	vst v63  }
0x77: {  	s22 =	rddreg [dreg:$0x8]  }
0x78: {  	[hbm4b:s5+s2] =	stream.indirect_vreg.scatter [tilespmem:s22], [sflag:$0x2], $0x80, v4, vm0, $0xb8;
	[tilespmem:$0x18200] =	vst v63  }
0x79: {  	s21 =	rddreg [dreg:$0x9]  }
0x7a: {  	[hbm4b:s6+s2] =	stream.indirect_vreg.scatter [tilespmem:s21], [sflag:$0x2], $0x80, v4, vm0, $0xb8;
	[tilespmem:$0x18200] =	vst v63  }
0x7b: {  	s22 =	rddreg [dreg:$0xa]  }
0x7c: {  	[hbm4b:s7+s2] =	stream.indirect_vreg.scatter [tilespmem:s22], [sflag:$0x2], $0x80, v4, vm0, $0xb8;
	[tilespmem:$0x18200] =	vst v63  }
0x7d: {  	v3 =	vperm.xlane v3, v2;
	s21 =	rddreg [dreg:$0xb]  }
0x7e: {  	[hbm4b:s8+s2] =	stream.indirect_vreg.scatter [tilespmem:s21], [sflag:$0x2], $0x80, v4, vm0, $0xb8;
	[tilespmem:$0x18200] =	vst v63  }
0x7f: {  	v3 =	vadd.s32 v1, v3;
	s22 =	rddreg [dreg:$0xc]  }
0x80: {  	[hbm4b:s9+s2] =	stream.indirect_vreg.scatter [tilespmem:s22], [sflag:$0x2], $0x80, v4, vm0, $0xb8;
	[tilespmem:$0x18200] =	vst v63  }
0x81: {  	s21 =	rddreg [dreg:$0xd]  }
0x82: {  	[hbm4b:s10+s2] =	stream.indirect_vreg.scatter [tilespmem:s21], [sflag:$0x2], $0x80, v4, vm0, $0xb8;
	[tilespmem:$0x18200] =	vst v63  }
0x83: {  	s22 =	rddreg [dreg:$0xe]  }
0x84: {  	[hbm4b:s3+s2] =	stream.indirect_vreg.scatter [tilespmem:s22], [sflag:$0x2], $0x80, v3, vm0, $0xb8;
	[tilespmem:$0x18200] =	vst v63  }
0x85: {  	s21 =	rddreg [dreg:$0xf]  }
0x86: {  	[hbm4b:s4+s2] =	stream.indirect_vreg.scatter [tilespmem:s21], [sflag:$0x2], $0x80, v3, vm0, $0xb8;
	[tilespmem:$0x18200] =	vst v63  }
0x87: {  	s22 =	rddreg [dreg:$0x10]  }
0x88: {  	[hbm4b:s5+s2] =	stream.indirect_vreg.scatter [tilespmem:s22], [sflag:$0x2], $0x80, v3, vm0, $0xb8;
	[tilespmem:$0x18200] =	vst v63  }
0x89: {  	s21 =	rddreg [dreg:$0x11]  }
0x8a: {  	[hbm4b:s6+s2] =	stream.indirect_vreg.scatter [tilespmem:s21], [sflag:$0x2], $0x80, v3, vm0, $0xb8;
	[tilespmem:$0x18200] =	vst v63  }
0x8b: {  	s22 =	rddreg [dreg:$0x12]  }
0x8c: {  	[hbm4b:s7+s2] =	stream.indirect_vreg.scatter [tilespmem:s22], [sflag:$0x2], $0x80, v3, vm0, $0xb8;
	[tilespmem:$0x18200] =	vst v63  }
0x8d: {  	s21 =	rddreg [dreg:$0x13]  }
0x8e: {  	[hbm4b:s8+s2] =	stream.indirect_vreg.scatter [tilespmem:s21], [sflag:$0x2], $0x80, v3, vm0, $0xb8;
	[tilespmem:$0x18200] =	vst v63  }
0x8f: {  	s22 =	rddreg [dreg:$0x14]  }
0x90: {  	[hbm4b:s9+s2] =	stream.indirect_vreg.scatter [tilespmem:s22], [sflag:$0x2], $0x80, v3, vm0, $0xb8;
	[tilespmem:$0x18200] =	vst v63  }
0x91: {  	s21 =	rddreg [dreg:$0x15]  }
0x92: {  	[hbm4b:s10+s2] =	stream.indirect_vreg.scatter [tilespmem:s21], [sflag:$0x2], $0x80, v3, vm0, $0xb8;
	[tilespmem:$0x18200] =	vst v63  }
0x93: {  	v3 =	vld.msk [tilespmem:$0x90], $0xff;
	_ =	sdelay $0x4  }
0x94: {  	v61 =	vshll.u32 v3, $0x4  }
0x95: {  	v3 =	vand.u32 $0x7, v3;
	v4 =	vand.u32 $0xFFFFFF80, v61  }
0x96: {  	v3 =	vor.u32 v3, v4  }
0x97: {  	v3 =	vperm.xlane v3, v0;
	_ =	sdelay $0x1  }
0x98: {  	v3 =	vadd.s32 v1, v3;
	_ =	sdelay $0x3  }
0x99: {  	s21 =	rddreg [dreg:$0x16]  }
0x9a: {  	[hbm4b:s3+s2] =	stream.indirect_vreg.scatter [tilespmem:s21], [sflag:$0x2], $0x80, v3, vm0, $0xb8;
	[tilespmem:$0x18200] =	vst v63  }
0x9b: {  	s22 =	rddreg [dreg:$0x17]  }
0x9c: {  	[hbm4b:s4+s2] =	stream.indirect_vreg.scatter [tilespmem:s22], [sflag:$0x2], $0x80, v3, vm0, $0xb8;
	[tilespmem:$0x18200] =	vst v63  }
0x9d: {  	s21 =	rddreg [dreg:$0x18]  }
0x9e: {  	[hbm4b:s5+s2] =	stream.indirect_vreg.scatter [tilespmem:s21], [sflag:$0x2], $0x80, v3, vm0, $0xb8;
	[tilespmem:$0x18200] =	vst v63  }
0x9f: {  	s22 =	rddreg [dreg:$0x19]  }
0xa0: {  	[hbm4b:s6+s2] =	stream.indirect_vreg.scatter [tilespmem:s22], [sflag:$0x2], $0x80, v3, vm0, $0xb8;
	[tilespmem:$0x18200] =	vst v63  }
0xa1: {  	s21 =	rddreg [dreg:$0x1a]  }
0xa2: {  	[hbm4b:s7+s2] =	stream.indirect_vreg.scatter [tilespmem:s21], [sflag:$0x2], $0x80, v3, vm0, $0xb8;
	[tilespmem:$0x18200] =	vst v63  }
0xa3: {  	s22 =	rddreg [dreg:$0x1b]  }
0xa4: {  	[hbm4b:s8+s2] =	stream.indirect_vreg.scatter [tilespmem:s22], [sflag:$0x2], $0x80, v3, vm0, $0xb8;
	[tilespmem:$0x18200] =	vst v63  }
0xa5: {  	s21 =	rddreg [dreg:$0x1c]  }
0xa6: {  	[hbm4b:s9+s2] =	stream.indirect_vreg.scatter [tilespmem:s21], [sflag:$0x2], $0x80, v3, vm0, $0xb8;
	[tilespmem:$0x18200] =	vst v63  }
0xa7: {  	s22 =	rddreg [dreg:$0x1d]  }
0xa8: {  	[hbm4b:s10+s2] =	stream.indirect_vreg.scatter [tilespmem:s22], [sflag:$0x2], $0x80, v3, vm0, $0xb8;
	[tilespmem:$0x18200] =	vst v63  }
0xa9: {  	s21 =	rddreg [dreg:$0x6]  }
0xaa: {  	[tilespmem:s0], [sflag:$0x3] =	stream.linear.gather [hbm4b:s21+s2], $0xC000, $0x38;
	[tilespmem:$0x18200] =	vst v63  }
0xab: {  	_ =	swait.ge [sflag:s12], $0xC000  }
0xac: {  	[sflag:s12] =	ssyncset.done $0x0  }
0xad: {  	s22 =	simm.s32 $0x2;
	[sflag:s12] =	ssyncadd.s32 $0xFFFF4000  }
0xae: {  	_ =	swait.ge [sflag:s22], $0xC000  }
0xaf: {  	[sflag:s22] =	ssyncset.done $0x0  }
0xb0: {  	[sflag:s22] =	ssyncadd.s32 $0xFFFF4000  }
0xb1: {  	v3 =	vld [tilespmem:$0x100];
	_ =	sdelay $0x4  }
0xb2: {  	v62 =	vshll.u32 v3, $0x4  }
0xb3: {  	v3 =	vand.u32 $0x7, v3;
	v4 =	vand.u32 $0xFFFFFF80, v62  }
0xb4: {  	v3 =	vor.u32 v3, v4  }
0xb5: {  	v4 =	vperm.xlane v3, v0;
	_ =	sdelay $0x1  }
0xb6: {  	v4 =	vadd.s32 v1, v4;
	_ =	sdelay $0x4  }
0xb7: {  	[hbm4b:s3+s2] =	stream.indirect_vreg.scatter [tilespmem:s0], [sflag:$0x1], $0x80, v4, vm0, $0xb8;
	[tilespmem:$0x18200] =	vst v63  }
0xb8: {  	_ = 	snop  }
0xb9: {  	[hbm4b:s4+s2] =	stream.indirect_vreg.scatter [tilespmem:s23], [sflag:$0x1], $0x80, v4, vm0, $0xb8;
	[tilespmem:$0x18200] =	vst v63  }
0xba: {  	_ = 	snop  }
0xbb: {  	[hbm4b:s5+s2] =	stream.indirect_vreg.scatter [tilespmem:s24], [sflag:$0x1], $0x80, v4, vm0, $0xb8;
	[tilespmem:$0x18200] =	vst v63  }
0xbc: {  	_ = 	snop  }
0xbd: {  	[hbm4b:s6+s2] =	stream.indirect_vreg.scatter [tilespmem:s25], [sflag:$0x1], $0x80, v4, vm0, $0xb8;
	[tilespmem:$0x18200] =	vst v63  }
0xbe: {  	_ = 	snop  }
0xbf: {  	[hbm4b:s7+s2] =	stream.indirect_vreg.scatter [tilespmem:s26], [sflag:$0x1], $0x80, v4, vm0, $0xb8;
	[tilespmem:$0x18200] =	vst v63  }
0xc0: {  	v3 =	vperm.xlane v3, v2  }
0xc1: {  	[hbm4b:s8+s2] =	stream.indirect_vreg.scatter [tilespmem:s28], [sflag:$0x1], $0x80, v4, vm0, $0xb8;
	[tilespmem:$0x18200] =	vst v63  }
0xc2: {  	v3 =	vadd.s32 v1, v3  }
0xc3: {  	[hbm4b:s9+s2] =	stream.indirect_vreg.scatter [tilespmem:s29], [sflag:$0x1], $0x80, v4, vm0, $0xb8;
	[tilespmem:$0x18200] =	vst v63  }
0xc4: {  	_ = 	snop  }
0xc5: {  	[hbm4b:s10+s2] =	stream.indirect_vreg.scatter [tilespmem:s30], [sflag:$0x1], $0x80, v4, vm0, $0xb8;
	[tilespmem:$0x18200] =	vst v63  }
0xc6: {  	_ = 	snop  }
0xc7: {  	[hbm4b:s3+s2] =	stream.indirect_vreg.scatter [tilespmem:s31], [sflag:$0x1], $0x80, v3, vm0, $0xb8;
	[tilespmem:$0x18200] =	vst v63  }
0xc8: {  	s22 =	simm.s32 $0x4A00  }
0xc9: {  	[hbm4b:s4+s2] =	stream.indirect_vreg.scatter [tilespmem:s22], [sflag:$0x1], $0x80, v3, vm0, $0xb8;
	[tilespmem:$0x18200] =	vst v63  }
0xca: {  	s21 =	simm.s32 $0x5200  }
0xcb: {  	[hbm4b:s5+s2] =	stream.indirect_vreg.scatter [tilespmem:s21], [sflag:$0x1], $0x80, v3, vm0, $0xb8;
	[tilespmem:$0x18200] =	vst v63  }
0xcc: {  	_ = 	snop  }
0xcd: {  	[hbm4b:s6+s2] =	stream.indirect_vreg.scatter [tilespmem:s14], [sflag:$0x1], $0x80, v3, vm0, $0xb8;
	[tilespmem:$0x18200] =	vst v63  }
0xce: {  	_ = 	snop  }
0xcf: {  	[hbm4b:s7+s2] =	stream.indirect_vreg.scatter [tilespmem:s15], [sflag:$0x1], $0x80, v3, vm0, $0xb8;
	[tilespmem:$0x18200] =	vst v63  }
0xd0: {  	_ = 	snop  }
0xd1: {  	[hbm4b:s8+s2] =	stream.indirect_vreg.scatter [tilespmem:s16], [sflag:$0x1], $0x80, v3, vm0, $0xb8;
	[tilespmem:$0x18200] =	vst v63  }
0xd2: {  	_ = 	snop  }
0xd3: {  	[hbm4b:s9+s2] =	stream.indirect_vreg.scatter [tilespmem:s17], [sflag:$0x1], $0x80, v3, vm0, $0xb8;
	[tilespmem:$0x18200] =	vst v63  }
0xd4: {  	_ = 	snop  }
0xd5: {  	[hbm4b:s10+s2] =	stream.indirect_vreg.scatter [tilespmem:s18], [sflag:$0x1], $0x80, v3, vm0, $0xb8;
	[tilespmem:$0x18200] =	vst v63  }
0xd6: {  	v3 =	vld.msk [tilespmem:$0x110], $0xff;
	_ =	sdelay $0x4  }
0xd7: {  	v63 =	vshll.u32 v3, $0x4  }
0xd8: {  	v3 =	vand.u32 $0x7, v3;
	v4 =	vand.u32 $0xFFFFFF80, v63  }
0xd9: {  	v3 =	vor.u32 v3, v4  }
0xda: {  	v3 =	vperm.xlane v3, v0;
	_ =	sdelay $0x1  }
0xdb: {  	v3 =	vadd.s32 v1, v3;
	_ =	sdelay $0x4  }
0xdc: {  	[hbm4b:s3+s2] =	stream.indirect_vreg.scatter [tilespmem:s20], [sflag:$0x1], $0x80, v3, vm0, $0xb8;
	[tilespmem:$0x18200] =	vst v63  }
0xdd: {  	_ = 	snop  }
0xde: {  	[hbm4b:s4+s2] =	stream.indirect_vreg.scatter [tilespmem:s13], [sflag:$0x1], $0x80, v3, vm0, $0xb8;
	[tilespmem:$0x18200] =	vst v63  }
0xdf: {  	s22 =	simm.s32 $0x9200  }
0xe0: {  	[hbm4b:s5+s2] =	stream.indirect_vreg.scatter [tilespmem:s22], [sflag:$0x1], $0x80, v3, vm0, $0xb8;
	[tilespmem:$0x18200] =	vst v63  }
0xe1: {  	s21 =	simm.s32 $0x9A00  }
0xe2: {  	[hbm4b:s6+s2] =	stream.indirect_vreg.scatter [tilespmem:s21], [sflag:$0x1], $0x80, v3, vm0, $0xb8;
	[tilespmem:$0x18200] =	vst v63  }
0xe3: {  	s22 =	simm.s32 $0xA200  }
0xe4: {  	[hbm4b:s7+s2] =	stream.indirect_vreg.scatter [tilespmem:s22], [sflag:$0x1], $0x80, v3, vm0, $0xb8;
	[tilespmem:$0x18200] =	vst v63  }
0xe5: {  	s21 =	simm.s32 $0xAA00  }
0xe6: {  	[hbm4b:s8+s2] =	stream.indirect_vreg.scatter [tilespmem:s21], [sflag:$0x1], $0x80, v3, vm0, $0xb8;
	[tilespmem:$0x18200] =	vst v63  }
0xe7: {  	p0 =	sne.s32 s11, $0x1;
	s22 =	simm.s32 $0xB200  }
0xe8: {  	[hbm4b:s9+s2] =	stream.indirect_vreg.scatter [tilespmem:s22], [sflag:$0x1], $0x80, v3, vm0, $0xb8;
	[tilespmem:$0x18200] =	vst v63  }
.Ltmp0:
0xe9: {  	_ = 	snop;
	(pc) =	sbr.rel @p0 .LBB2_1-.Ltmp0, $4  }
0xea: {  	[hbm4b:s10+s2] =	stream.indirect_vreg.scatter [tilespmem:s1], [sflag:$0x1], $0x80, v3, vm0, $0xb8;
	[tilespmem:$0x18200] =	vst v63  }
0xeb: {  	_ =	swait.ge [sflag:s19], $0xC000  }
0xec: {  	[sflag:s19] =	ssyncset.done $0x0  }
0xed: {  	s11 =	sadd.s32 $0xFFFFFFFF, s11;
	[sflag:s19] =	ssyncadd.s32 $0xFFFF4000  }
0xee: {  	_ =	sfence.sel $0x180000  }
0xef: {  	[bflag:$0x0] =	sbarrier.arrive $0xFFFF  }
0xf0: {  	_ =	strace $0x9000004D  }
0xf1: {  	s0 =	stileid.u32;
	[bflag:$0x2] =	sbarrier.arrive $0xFFFF  }
0xf2: {  	p0 =	sne.s32 s0, $0x0;
	s0 =	rddreg [dreg:$0x2]  }
0xf3: {  	s0 =	sadd.s32 @!p0 $0x100000, s0  }
0xf4: {  	[sflag:s0] =	ssyncadd.tile.s32 @!p0 $0x1;
	_ =	shalt  }
.Lfunc_end2:
_tile_overlayer_lowered:
.L_overlay_start_2:
0xf5: {  	(tag) =	ssettag $0x2  }
0xf6: {  	s0 =	rddreg [dreg:$0x0];
	s2 =	stileid.u32  }
0xf7: {  	s1 =	rddreg [dreg:$0x1];
	p0 =	sne.s32 s2, $0x0  }
0xf8: {  	s3 =	rddreg [dreg:$0x2];
	[bflag:$0x3] =	sbarrier.arrive $0xFFFF;
	s2 =	simm.s32 @!p0 $0x1C03  }
0xf9: {  	[timem:s3], [sflag:s2] =	dma.local @!p0 [hbm:s0], s1  }
0xfa: {  	s0 =	simm.s32 @!p0 $0x3  }
0xfb: {  	_ =	swait.ge @!p0 [sflag:s0], s1  }
0xfc: {  	s1 =	ssub.s32 @!p0 $0x0, s1;
	[sflag:s0] =	ssyncset.done @!p0 $0x0  }
0xfd: {  	[sflag:s0] =	ssyncadd.s32 @!p0 s1  }
0xfe: {  	[bflag:$0x3] =	sbarrier.arrive $0xFFFF  }
0xff: {  	_ =	shalt  }

// kernel: kernel.7.cloned.1.call-start
scs
__scs_entry_jumppad:
0x0: {  	(pc) =	sbr.rel $0x88, $3  }
0x1: {  	(tag) =	ssettag $0x0;
	lr =	simm.s32 $0x1  }
0x2: {  	[smem:$0x3F99] =	sst lr;
	_ =	strace $0xD0000000  }
0x3: {  	_ = 	snop  }
0x4: {  	_ = 	snop  }
0x5: {  	_ = 	snop  }
0x6: {  	_ = 	snop  }
0x7: {  	_ = 	snop  }
__scs_overlays_trampoline_lowered:
0x8: {  	[smem:$0x3FA8] =	sst s0  }
0x9: {  	[smem:$0x3FA9] =	sst s1  }
0xa: {  	[smem:$0x3FAA] =	sst s2  }
0xb: {  	[smem:$0x3FAB] =	sst s3  }
0xc: {  	[smem:$0x3FAC] =	sst s4  }
0xd: {  	[smem:$0x3FAD] =	sst s5  }
0xe: {  	[smem:$0x3FAE] =	sst s6  }
0xf: {  	[smem:$0x3FAF] =	sst s7  }
0x10: {  	[smem:$0x3FB0] =	sst s8  }
0x11: {  	[smem:$0x3FB1] =	sst s9;
	s0 =	simm.s32 @!p0 $0x0  }
0x12: {  	s1 =	sld [smem:$0x3F97];
	s0 =	simm.s32 @p0 $0x1  }
0x13: {  	[smem:$0x3FB2] =	sst s0;
	s0 =	simm.s32 @!p1 $0x0  }
0x14: {  	s2 =	sld [smem:$0x3F96];
	s0 =	simm.s32 @p1 $0x1  }
0x15: {  	[smem:$0x3FB3] =	sst s0;
	s0 =	simm.s32 @!p2 $0x0  }
0x16: {  	s3 =	sld [smem:$0x3FDB];
	s0 =	simm.s32 @p2 $0x1  }
0x17: {  	s4 =	simm.s32 $0x1BF5;
	[smem:$0x3FB5] =	sst s0  }
0x18: {  	s0 =	sld [smem:$0x3F98];
	_ =	swait.ge [sflag:s4], $0x0  }
0x19: {  	s7 =	sld [smem:$0x3F99]  }
0x1a: {  	s8 =	sadd.s32 $0xFFFFE003, lr  }
0x1b: {  	s9 =	sadd.s32 $0xFFFFFEF7, lr;
	s5 =	simm.s32 $0xFFFFFFFF;
	p2 =	slt.u32 s8, $0xFFFFF086  }
0x1c: {  	p1 =	slt.u32 s9, $0xF7A;
	s5 =	simm.s32 @!p2 $0x0  }
0x1d: {  	s5 =	simm.s32 @p1 $0x1;
	p0 =	seq.s32 s7, s2  }
0x1e: {  	s7 =	smul.u32 @!p0 $0xF7A, s2;
	p2 =	seq.s32 @!p0 s5, $0x0  }
0x1f: {  	s9 =	smul.u32 $0xF7A, s1;
	s8 =	simm.s32 @!p0 $0x1BF5;
	p2 =	por !p2, p0  }
0x20: {  	[sflag:s8] =	ssyncset.s32 @!p0 $0xFFFFF086;
	s6 =	sadd.s32 @!p0 s3, s7;
	s7 =	simm.s32 @!p0 $0x108  }
0x21: {  	s3 =	sadd.s32 s3, s9;
	s6 =	sadd.s32 @!p0 $0x88, s6;
	s7 =	simm.s32 @p2 $0x1082  }
0x22: {  	[simem:s7], [sflag:s8] =	dma.local @!p0 [hbm:s6], $0xF7A  }
0x23: {  	s9 =	sor.u32 $0xD0000000, s2;
	s6 =	simm.s32 $0x108;
	_ =	swait.ge @!p0 [sflag:s8], $0x0  }
0x24: {  	s3 =	sadd.s32 $0x88, s3;
	s6 =	simm.s32 @!p1 $0x1082;
	[sflag:s4] =	ssyncset.s32 $0xFFFFF086  }
0x25: {  	[simem:s6], [sflag:s4] =	dma.local [hbm:s3], $0xF7A  }
0x26: {  	[smem:$0x3F99] =	sst s1;
	(tag) =	ssettag s2;
	_ =	strace s9  }
0x27: {  	s1 =	sld [smem:$0x3FA9]  }
0x28: {  	s2 =	sld [smem:$0x3FAA]  }
0x29: {  	s4 =	sld [smem:$0x3FAC]  }
0x2a: {  	p0 =	seq.s32 s5, $0x0;
	s5 =	sld [smem:$0x3FAD]  }
0x2b: {  	s6 =	sld [smem:$0x3FAE]  }
0x2c: {  	s7 =	sld [smem:$0x3FAF]  }
0x2d: {  	s3 =	simm.s32 $0x108;
	s8 =	sld [smem:$0x3FB0]  }
0x2e: {  	s3 =	simm.s32 @!p0 $0x1082;
	s9 =	sld [smem:$0x3FB1]  }
0x2f: {  	lr =	sadd.s32 s0, s3;
	s0 =	sld [smem:$0x3FA8]  }
0x30: {  	s3 =	sld [smem:$0x3FAB]  }
0x31: {  	[smem:$0x3FB4] =	sst s10  }
0x32: {  	s10 =	sld [smem:$0x3FB2];
	_ =	sdelay $0x3  }
0x33: {  	p0 =	seq.s32 s10, $0x1;
	s10 =	sld [smem:$0x3FB4];
	_ =	sdelay $0x3  }
0x34: {  	[smem:$0x3FB4] =	sst s10  }
0x35: {  	s10 =	sld [smem:$0x3FB3];
	_ =	sdelay $0x3  }
0x36: {  	p1 =	seq.s32 s10, $0x1;
	s10 =	sld [smem:$0x3FB4];
	_ =	sdelay $0x3  }
0x37: {  	[smem:$0x3FB4] =	sst s10  }
0x38: {  	s10 =	sld [smem:$0x3FB5]  }
0x39: {  	_ = 	snop;
	(pc) =	sbr.ind lr, $3  }
0x3a: {  	_ = 	snop  }
0x3b: {  	_ = 	snop  }
0x3c: {  	p2 =	seq.s32 s10, $0x1;
	s10 =	sld [smem:$0x3FB4]  }
0x3d: {  	_ =	shalt  }
0x3e: {  	_ =	shalt  }
0x3f: {  	_ =	shalt  }
0x40: {  	_ =	shalt  }
0x41: {  	_ =	shalt  }
0x42: {  	_ =	shalt  }
0x43: {  	_ =	shalt  }
0x44: {  	_ =	shalt  }
0x45: {  	_ =	shalt  }
0x46: {  	_ =	shalt  }
0x47: {  	_ =	shalt  }
0x48: {  	_ =	shalt  }
0x49: {  	_ =	shalt  }
0x4a: {  	_ =	shalt  }
0x4b: {  	_ =	shalt  }
0x4c: {  	_ =	shalt  }
0x4d: {  	_ =	shalt  }
0x4e: {  	_ =	shalt  }
0x4f: {  	_ =	shalt  }
0x50: {  	_ =	shalt  }
0x51: {  	_ =	shalt  }
0x52: {  	_ =	shalt  }
0x53: {  	_ =	shalt  }
0x54: {  	_ =	shalt  }
0x55: {  	_ =	shalt  }
0x56: {  	_ =	shalt  }
0x57: {  	_ =	shalt  }
0x58: {  	_ =	shalt  }
0x59: {  	_ =	shalt  }
0x5a: {  	_ =	shalt  }
0x5b: {  	_ =	shalt  }
0x5c: {  	_ =	shalt  }
0x5d: {  	_ =	shalt  }
0x5e: {  	_ =	shalt  }
0x5f: {  	_ =	shalt  }
0x60: {  	_ =	shalt  }
0x61: {  	_ =	shalt  }
0x62: {  	_ =	shalt  }
0x63: {  	_ =	shalt  }
0x64: {  	_ =	shalt  }
0x65: {  	_ =	shalt  }
0x66: {  	_ =	shalt  }
0x67: {  	_ =	shalt  }
0x68: {  	_ =	shalt  }
0x69: {  	_ =	shalt  }
0x6a: {  	_ =	shalt  }
0x6b: {  	_ =	shalt  }
0x6c: {  	_ =	shalt  }
0x6d: {  	_ =	shalt  }
0x6e: {  	_ =	shalt  }
0x6f: {  	_ =	shalt  }
0x70: {  	_ =	shalt  }
0x71: {  	_ =	shalt  }
0x72: {  	_ =	shalt  }
0x73: {  	_ =	shalt  }
0x74: {  	_ =	shalt  }
0x75: {  	_ =	shalt  }
0x76: {  	_ =	shalt  }
0x77: {  	_ =	shalt  }
0x78: {  	_ =	shalt  }
0x79: {  	_ =	shalt  }
0x7a: {  	_ =	shalt  }
0x7b: {  	_ =	shalt  }
0x7c: {  	_ =	shalt  }
0x7d: {  	_ =	shalt  }
0x7e: {  	_ =	shalt  }
0x7f: {  	_ =	shalt  }
0x80: {  	_ =	shalt  }
0x81: {  	_ =	shalt  }
0x82: {  	_ =	shalt  }
0x83: {  	_ =	shalt  }
0x84: {  	_ =	shalt  }
0x85: {  	_ =	shalt  }
0x86: {  	_ =	shalt  }
0x87: {  	_ =	shalt  }
.Lfunc_end0:
.L_simem_size_0:
called_computation_lowered:
.L_overlay_start_0:
0x88: {  	s2 =	sld [smem:$0x3FD9]  }
0x89: {  	s3 =	sld [smem:$0x3FFE];
	_ =	sdelay $0x1  }
0x8a: {  	s1 =	srdreg.scid  }
0x8b: {  	s0 =	sand.u32 $0x1, s1  }
0x8c: {  	s17 =	sshll.u32 s0, $0xA;
	s2 =	sadd.s32 s3, s2  }
0x8d: {  	s2 =	sadd.s32 s2, s17  }
0x8e: {  	[smem:$0x3FC0] =	sst s2  }
0x8f: {  	_ = 	snop  }
0x90: {  	s2 =	sld [smem:$0x3FD0];
	(tm) =	ssettm $0x1  }
0x91: {  	s18 =	sld [smem:$0x3FFB];
	_ =	sdelay $0x3  }
0x92: {  	_ =	strace s18  }
0x93: {  	s3 =	sld [smem:$0x3FFC];
	_ =	sdelay $0x3  }
0x94: {  	_ =	strace s3  }
0x95: {  	s3 =	sld [smem:$0x3FFD];
	_ =	sdelay $0x3  }
0x96: {  	_ =	strace s3  }
0x97: {  	_ =	strace $0x8FFFFFFF  }
0x98: {  	s19 =	sld [smem:$0x3FDB];
	_ =	sdelay $0x1  }
0x99: {  	s4 =	simm.s32 $_scs_section_size  }
0x9a: {  	s5 =	simm.s32 $_size__tile_overlayer_lowered;
	s6 =	simm.s32 $_tile_overlayer_lowered  }
0x9b: {  	s22 =	simm.s32 $0x1BFF;
	s21 =	sshll.u32 s6, $0x1;
	s3 =	sadd.s32 s4, s19  }
0x9c: {  	s7 =	simm.s32 $0x0;
	s20 =	sshll.u32 s5, $0x1;
	s5 =	sadd.s32 s21, s3  }
0x9d: {  	[timem:s7], [sflag:s22] =	dma.local [hbm:s5], s20  }
0x9e: {  	_ =	swait.ge [sflag:s22], s20  }
0x9f: {  	s4 =	ssub.s32 $0x0, s20;
	[sflag:s22] =	ssyncset.done $0x0  }
0xa0: {  	[sflag:s22] =	ssyncadd.s32 s4;
	_ =	sdelay $0x1  }
0xa1: {  	s23 =	simm.s32 $0x1B8B  }
0xa2: {  	_ =	swait.ge [sflag:s23], $0x1  }
0xa3: {  	[sflag:s23] =	ssyncset.done $0x0  }
0xa4: {  	s25 =	simm.s32 $0x1B8E;
	s24 =	sld [smem:$0x3FFE];
	[sflag:s23] =	ssyncadd.s32 $0xFFFFFFFF  }
0xa5: {  	s26 =	simm.s32 $execute0_lowered;
	[smem:$0x3FD2] =	sst s25  }
0xa6: {  	s5 =	sshll.u32 s26, $0x1;
	_ =	strace $0x80000046;
	[dreg:$0x1] =	wrdreg $0xFFFFFFFF  }
0xa7: {  	s28 =	simm.s32 $_size_execute0_lowered;
	s3 =	sadd.s32 s3, s5;
	[dreg:$0x0] =	wrdreg $0x0  }
0xa8: {  	s5 =	sshll.u32 s28, $0x1;
	[dreg:$0x2] =	wrdreg s3  }
0xa9: {  	[dreg:$0x3] =	wrdreg s5  }
0xaa: {  	[dreg:$0x4] =	wrdreg $0xC0  }
0xab: {  	_ =	task [dreg:s7], $0x5FFFF  }
0xac: {  	[dreg:$0x1] =	wrdreg $0xFFFFFFFF  }
0xad: {  	[dreg:$0x0] =	wrdreg $0x60  }
0xae: {  	[dreg:$0x2] =	wrdreg s24  }
0xaf: {  	[dreg:$0x3] =	wrdreg s2  }
0xb0: {  	[dreg:$0x4] =	wrdreg $0x9  }
0xb1: {  	_ =	task.clear_ibuf [dreg:s7], $0x5FFFF;
	_ =	strace $0x90000046  }
0xb2: {  	s29 =	simm.s32 $0x9;
	_ =	strace $0x80000048  }
0xb3: {  	_ =	swait.ge [sflag:s29], $0x1  }
0xb4: {  	[sflag:s29] =	ssyncadd.s32 $0xFFFFFFFF  }
0xb5: {  	_ =	strace $0x90000048  }
0xb6: {  	_ =	sfence  }
0xb7: {  	s30 =	sld [smem:$0x0];
	_ =	sdelay $0x2  }
0xb8: {  	s31 =	sshll.u32 s1, $0xD;
	s1 =	sshrl.u32 s1, $0x2  }
0xb9: {  	s3 =	sand.u32 $0x4000, s31;
	s1 =	sadd.s32 s1, s30  }
0xba: {  	s0 =	sor.u32 s3, s0;
	s1 =	sshll.u32 s1, $0x11  }
0xbb: {  	s0 =	sor.u32 s1, s0  }
0xbc: {  	s0 =	sadd.s32 $0x8F2B, s0  }
0xbd: {  	[sflag:s0] =	ssyncadd.remote.s32 $0x1  }
0xbe: {  	_ =	sfence.sel $0xFFFF  }
0xbf: {  	[dreg:$0x0] =	wrdreg $0xFFFFFFFF;
	(pc) =	sbr.abs _section_cstart, $3  }
0xc0: {  	[dreg:$0x1] =	wrdreg $0xFFFFFFFF  }
0xc1: {  	_ =	task.clear_ibuf [dreg:s7], $0x2FFFF;
	_ =	strace $0x9FFFFFFF  }
0xc2: {  	(tm) =	ssettm $0x7FFFFFFF  }
0xc3: {  	_ =	shalt  }
tec
execute0_lowered:
.L_overlay_start_1:
0x0: {  	(tag) =	ssettag $0x1  }
0x1: {  	s0 =	srdreg.scid  }
0x2: {  	s3 =	sand.u32 $0x1, s0;
	s0 =	stileid.u32  }
0x3: {  	s4 =	sshll.u32 s0, $0x1;
	s6 =	ssub.s32 $0x0, s3  }
0x4: {  	p0 =	sne.s32 s4, s6  }
.Ltmp0:
0x5: {  	_ = 	snop;
	(pc) =	sbr.rel @p0 .LBB2_9-.Ltmp0, $4  }
0x6: {  	_ = 	snop  }
0x7: {  	s5 =	rddreg [dreg:$0x0]  }
0x8: {  	s2 =	rddreg [dreg:$0x1]  }
0x9: {  	s1 =	rddreg [dreg:$0x2];
	_ =	strace $0x80000047  }
0xa: {  	s4 =	ssub.s32 $0x2, s3  }
0xb: {  	s3 =	sadd.s32 $0x1200, s5;
	v0 =	vlaneseq.u32;
	s7 =	simm.s32 $0x0;
	s8 =	simm.s32 $0x1  }
0xc: {  	s9 =	simm.s32 $0x800;
	s10 =	simm.s32 $0x1100;
	s6 =	sshrl.u32 s4, $0x1;
	v4 =	vmul.u32 $0x100, v0  }
0xd: {  	v1 =	vimm.s32 $0x0;
	s11 =	simm.s32 $0x1A00;
	s12 =	simm.s32 $0x0;
	v2 =	vand.u32 $0x7, v0;
	s6 =	ssub.s32 s4, s6  }
0xe: {  	v3 =	vimm.s32 $0x1;
	s4 =	sadd.s32 $0x1400, s5;
	s5 =	sadd.s32 $0x1600, s5;
	v2 =	vor.u32 $0x800, v2;
	s6 =	smax.u32 s6, $0x1;
	v4 =	vor.u32 $0x1, v4  }
.LBB2_2:
0xf: {  	[tilespmem:s7], [sflag:$0x1] =	stream.linear.gather [hbm4b:s3+s7], $0x800, $0x38;
	[tilespmem:$0x1A80] =	vst v63  }
0x10: {  	_ =	swait.ge [sflag:s8], $0x800  }
0x11: {  	[sflag:s8] =	ssyncset.done $0x0  }
0x12: {  	s13 =	simm.s32 $0x0;
	[sflag:s8] =	ssyncadd.s32 $0xFFFFF800  }
0x13: {  	s29 =	simm.s32 $0x10;
	v5 =	vld [tilespmem:s13+$0x0]  }
0x14: {  	v6 =	vld [tilespmem:s29+$0x0];
	_ =	sdelay $0x3  }
0x15: {  	(xrf0) =	vadd.scan.msk.s32 $0xffff, v5  }
0x16: {  	(xrf0) =	vadd.scan.msk.s32 $0xffff, v6;
	_ =	sdelay $0x4  }
0x17: {  	s30 =	simm.s32 $0x20;
	v6, _, _ =	vpop (xrf0)  }
0x18: {  	v5 =	vld [tilespmem:s30+$0x0];
	(v2sf) =	vpush v6, $0xF;
	v6, _, _ =	vpop (xrf0)  }
0x19: {  	(v2sf) =	vpush v6, $0xF;
	_ =	sdelay $0x3  }
0x1a: {  	s31 =	simm.s32 $0x30;
	(xrf0) =	vadd.scan.msk.s32 $0xffff, v5  }
0x1b: {  	v5 =	vld [tilespmem:s31+$0x0];
	_ =	sdelay $0x3  }
0x1c: {  	s14 =	simm.s32 $0x100;
	s13 =	simm.s32 $0x0  }
.LBB2_3:
0x1d: {  	s15 =	sshra.s32 s14, $0x2;
	p0 =	sne.s32 s14, $0x1FC0;
	s14 =	sadd.s32 $0x40, s14;
	(xrf0) =	vadd.scan.msk.s32 $0xffff, v5;
	v6, _, _ =	vpop (xrf0)  }
.Ltmp1:
0x1e: {  	v5 =	vld [tilespmem:s15+$0x0];
	(v2sf) =	vpush v6, $0xF;
	(pc) =	sbr.rel @p0 .LBB2_3-.Ltmp1, $3  }
0x1f: {  	_ =	sdelay $0x1  }
0x20: {  	s15 =	spop (v2sf)  }
0x21: {  	s13 =	sadd.s32 s13, s15  }
0x22: {  	(xrf0) =	vadd.scan.msk.s32 $0xffff, v5;
	_ =	sdelay $0x4  }
0x23: {  	v5, _, _ =	vpop (xrf0)  }
0x24: {  	(v2sf) =	vpush v5, $0xF;
	v5, _, _ =	vpop (xrf0)  }
0x25: {  	(v2sf) =	vpush v5, $0xF;
	_ =	sdelay $0xb  }
0x26: {  	s14 =	spop (v2sf)  }
0x27: {  	s13 =	sadd.s32 s13, s14;
	s29 =	spop (v2sf)  }
0x28: {  	s13 =	sadd.s32 s13, s29;
	s30 =	spop (v2sf)  }
0x29: {  	s13 =	sadd.s32 s13, s30;
	s31 =	spop (v2sf)  }
0x2a: {  	s15 =	simm.s32 $0x0;
	s14 =	sadd.s32 s13, s31;
	s13 =	simm.s32 $0x40  }
.LBB2_5:
0x2b: {  	p0 =	sne.s32 s13, $0x23C0;
	[tilespmem:s15+$0x800] =	vst v1;
	s16 =	smov.u32 s13;
	s13 =	sadd.s32 $0x40, s13  }
.Ltmp2:
0x2c: {  	[tilespmem:s15+$0x1100] =	vst v2;
	(pc) =	sbr.rel @p0 .LBB2_5-.Ltmp2, $2  }
0x2d: {  	_ =	sdelay $0x2  }
0x2e: {  	s15 =	sshra.s32 s16, $0x2  }
0x2f: {  	[tilespmem:s15+$0x800] =	vst v1  }
0x30: {  	[tilespmem:s15+$0x1100] =	vst v2;
	s13 =	simm.s32 $0x0  }
0x31: {  	v5 =	vld [tilespmem:s13+$0x0];
	_ =	sdelay $0x3  }
0x32: {  	s14 =	sadd.s32 $0xFF, s14  }
0x33: {  	s29 =	sand.u32 $0xFF, s14;
	v6 =	vsub.s32 $0x1, v5;
	(xrf0) =	vadd.scan.msk.s32 $0xffff, v5  }
0x34: {  	s16 =	sshra.s32 s14, $0x1F;
	p0 =	slt.s32 s14, $0x1;
	p1 =	sne.s32 s29, $0x0;
	(xrf0) =	vadd.scan.msk.s32 $0xffff, v6  }
0x35: {  	s30 =	sshrl.u32 s16, $0x18;
	p0 =	por !p0, !p1  }
0x36: {  	s15 =	simm.s32 $0x1;
	s14 =	sadd.s32 s30, s14;
	p0 =	por !p0, !p0  }
0x37: {  	s14 =	sshrl.u32 s14, $0x8;
	s15 =	simm.s32 @!p0 $0x0  }
0x38: {  	s14 =	ssub.s32 s14, s15  }
0x39: {  	s14 =	sshll.u32 s14, $0x8;
	v6, _, _ =	vpop (xrf0)  }
0x3a: {  	vm0 =	veq.s32 v3, v5;
	s31 =	sadd.s32 $0x0, s14;
	v7, _, _ =	vpop (xrf0);
	(v2sf) =	vpush v6, $0xF  }
0x3b: {  	v5 =	vadd.s32 s13, v6;
	v8 =	vadd.s32 s31, v7;
	(v2sf) =	vpush v7, $0xF  }
0x3c: {  	v5 =	vsel vm0, v5, v8  }
0x3d: {  	v5 =	vadd.s32 $0xFFFFFFFF, v5;
	_ =	sdelay $0x3  }
0x3e: {  	v63 =	vor.u32 s13, v0  }
0x3f: {  	[tilespmem:v5+s9+$0x0] =	vst.idx.msk $0xffff, v63  }
0x40: {  	s15 =	simm.s32 $0x10;
	[tilespmem:v5+s10+$0x0] =	vst.idx.msk $0xffff, v63  }
0x41: {  	s17 =	simm.s32 $0x20;
	s18 =	simm.s32 $0x10;
	s16 =	simm.s32 $0x0;
	v5 =	vld [tilespmem:s15+$0x0]  }
.LBB2_7:
0x42: {  	p0 =	sne.s32 s17, $0x7F0;
	_ =	sdelay $0x3  }
0x43: {  	v6 =	vsub.s32 $0x1, v5;
	vm0 =	veq.s32 v3, v5;
	(xrf0) =	vadd.scan.msk.s32 $0xffff, v5;
	s19 =	spop (v2sf)  }
0x44: {  	(xrf0) =	vadd.scan.msk.s32 $0xffff, v6;
	s13 =	sadd.s32 s13, s19;
	s19 =	spop (v2sf)  }
0x45: {  	s16 =	sadd.s32 s16, s19  }
0x46: {  	s19 =	sadd.s32 s14, s16;
	_ =	sdelay $0x2  }
0x47: {  	v5, _, _ =	vpop (xrf0)  }
0x48: {  	v6, _, _ =	vpop (xrf0);
	(v2sf) =	vpush v5, $0xF  }
0x49: {  	v5 =	vadd.s32 s13, v5;
	v7 =	vadd.s32 s19, v6;
	(v2sf) =	vpush v6, $0xF  }
0x4a: {  	v5 =	vsel vm0, v5, v7  }
0x4b: {  	v5 =	vadd.s32 $0xFFFFFFFF, v5;
	_ =	sdelay $0x2  }
.Ltmp3:
0x4c: {  	(pc) =	sbr.rel @p0 .LBB2_7-.Ltmp3, $4  }
0x4d: {  	v6 =	vor.u32 s15, v0;
	s15 =	smov.u32 s17  }
0x4e: {  	[tilespmem:v5+s9+$0x0] =	vst.idx.msk $0xffff, v6  }
0x4f: {  	s18 =	sadd.s32 $0x10, s18;
	[tilespmem:v5+s10+$0x0] =	vst.idx.msk $0xffff, v6  }
0x50: {  	s17 =	sadd.s32 $0x10, s17;
	v5 =	vld [tilespmem:s18+$0x0]  }
0x51: {  	_ =	sdelay $0x3  }
0x52: {  	v6 =	vsub.s32 $0x1, v5;
	(xrf0) =	vadd.scan.msk.s32 $0xffff, v5  }
0x53: {  	(xrf0) =	vadd.scan.msk.s32 $0xffff, v6;
	_ =	sdelay $0x4  }
0x54: {  	v6, _, _ =	vpop (xrf0)  }
0x55: {  	s17 =	spop (v2sf);
	v7, _, _ =	vpop (xrf0);
	(v2sf) =	vpush v6, $0xF  }
0x56: {  	s18 =	spop (v2sf);
	(v2sf) =	vpush v7, $0xF  }
0x57: {  	s16 =	sadd.s32 s16, s18  }
0x58: {  	s13 =	sadd.s32 s13, s17;
	s16 =	sadd.s32 s14, s16  }
0x59: {  	vm0 =	veq.s32 v3, v5;
	v5 =	vadd.s32 s13, v6;
	v6 =	vadd.s32 s16, v7  }
0x5a: {  	v5 =	vsel vm0, v5, v6  }
0x5b: {  	v5 =	vadd.s32 $0xFFFFFFFF, v5;
	_ =	sdelay $0x3  }
0x5c: {  	v7 =	vmov s14;
	v6 =	vor.u32 s15, v0  }
0x5d: {  	vm15 =	vlt.s32 v7, v4;
	[tilespmem:v5+s9+$0x0] =	vst.idx.msk $0xffff, v6  }
0x5e: {  	[tilespmem:v5+s10+$0x0] =	vst.idx.msk $0xffff, v6;
	v5 =	vsel vm15, $0x1, v1  }
0x5f: {  	[tilespmem:$0x1A00] =	vst v5  }
0x60: {  	[hbm4b:s4+s7] =	stream.linear.scatter [tilespmem:s9], [sflag:$0x1], $0x900, $0x38;
	[tilespmem:$0x1A80] =	vst v63  }
0x61: {  	s30 =	spop (v2sf)  }
0x62: {  	s31 =	spop (v2sf)  }
0x63: {  	_ =	swait.ge [sflag:s8], $0x900  }
0x64: {  	[sflag:s8] =	ssyncset.done $0x0  }
0x65: {  	[sflag:s8] =	ssyncadd.s32 $0xFFFFF700  }
0x66: {  	[hbm4b:s2+s7] =	stream.linear.scatter [tilespmem:s10], [sflag:$0x1], $0x900, $0x38;
	[tilespmem:$0x1A80] =	vst v63  }
0x67: {  	s12 =	sadd.s32 $0x1, s12;
	_ =	swait.ge [sflag:s8], $0x900  }
0x68: {  	p0 =	sne.s32 s12, s6;
	[sflag:s8] =	ssyncset.done $0x0  }
.Ltmp4:
0x69: {  	[sflag:s8] =	ssyncadd.s32 $0xFFFFF700;
	(pc) =	sbr.rel @p0 .LBB2_2-.Ltmp4, $4  }
0x6a: {  	[hbm4b:s5+s7] =	stream.linear.scatter [tilespmem:s11], [sflag:$0x1], $0x80, $0x38;
	[tilespmem:$0x1A80] =	vst v63  }
0x6b: {  	_ =	swait.ge [sflag:s8], $0x80  }
0x6c: {  	[sflag:s8] =	ssyncset.done $0x0  }
0x6d: {  	[sflag:s8] =	ssyncadd.s32 $0xFFFFFF80  }
.LBB2_9:
0x6e: {  	_ =	sfence.sel $0x180000  }
0x6f: {  	[bflag:$0x0] =	sbarrier.arrive $0xFFFF  }
0x70: {  	p0 =	sne.s32 s0, $0x0;
	_ =	strace $0x90000047  }
0x71: {  	s0 =	sadd.s32 @!p0 $0x100000, s1;
	[bflag:$0x2] =	sbarrier.arrive $0xFFFF  }
0x72: {  	[sflag:s0] =	ssyncadd.tile.s32 @!p0 $0x1;
	_ =	shalt  }
.Lfunc_end2:
_tile_overlayer_lowered:
.L_overlay_start_2:
0x73: {  	(tag) =	ssettag $0x2  }
0x74: {  	s0 =	rddreg [dreg:$0x0];
	s2 =	stileid.u32  }
0x75: {  	s1 =	rddreg [dreg:$0x1];
	p0 =	sne.s32 s2, $0x0  }
0x76: {  	s3 =	rddreg [dreg:$0x2];
	[bflag:$0x3] =	sbarrier.arrive $0xFFFF;
	s2 =	simm.s32 @!p0 $0x1C01  }
0x77: {  	[timem:s3], [sflag:s2] =	dma.local @!p0 [hbm:s0], s1  }
0x78: {  	s0 =	simm.s32 @!p0 $0x1  }
0x79: {  	_ =	swait.ge @!p0 [sflag:s0], s1  }
0x7a: {  	s1 =	ssub.s32 @!p0 $0x0, s1;
	[sflag:s0] =	ssyncset.done @!p0 $0x0  }
0x7b: {  	[sflag:s0] =	ssyncadd.s32 @!p0 s1  }
0x7c: {  	[bflag:$0x3] =	sbarrier.arrive $0xFFFF  }
0x7d: {  	_ =	shalt  }

</sc_bundles>
